<compile_context>
chip_gen: v7x
topology: tpu7x:2x2x1
jax: 0.10.2.dev20260603
libtpu: 0.0.44.dev20260713+nightly
codegen_flags: <defaults>
</compile_context>

<pallas_src>
import functools

import jax
import jax.numpy as jnp
from jax import lax
from jax.experimental import pallas as pl
from jax.experimental.pallas import tpu as pltpu
from jax.experimental.pallas import tpu_sc as plsc

NC = 2
NS = 16
NW = NC * NS
B = 128


def _sc_mesh():
    return plsc.VectorSubcoreMesh(
        core_axis_name="c", subcore_axis_name="s", num_cores=NC, num_subcores=NS
    )


@functools.lru_cache(maxsize=None)
def _make_deg_kernel(npad, ept):
    rpt = npad // NS
    nchunks = ept // B

    @functools.partial(
        pl.kernel,
        out_type=jax.ShapeDtypeStruct((NC, npad, 16), jnp.float32),
        mesh=_sc_mesh(),
        scratch_types=[
            pltpu.VMEM((B,), jnp.int32),
            pltpu.VMEM((B, 16), jnp.float32),
            pltpu.VMEM_SHARED((npad, 16), jnp.float32),
        ],
    )
    def deg_kernel(dst_hbm, ones_hbm, zeros_hbm, out_hbm, dst_v, ones_v, acc_sh):
        c = lax.axis_index("c")
        s = lax.axis_index("s")
        wid = s * NC + c
        row0 = s * rpt
        pltpu.sync_copy(zeros_hbm, acc_sh.at[pl.ds(row0, rpt)])
        pltpu.sync_copy(ones_hbm, ones_v)
        plsc.subcore_barrier()
        base = wid * ept

        def body(i, carry):
            pltpu.sync_copy(dst_hbm.at[pl.ds(base + i * B, B)], dst_v)
            pltpu.sync_copy(ones_v, acc_sh.at[dst_v], add=True)
            return carry

        lax.fori_loop(0, nchunks, body, 0)
        plsc.subcore_barrier()
        pltpu.sync_copy(acc_sh.at[pl.ds(row0, rpt)], out_hbm.at[c, pl.ds(row0, rpt)])

    return deg_kernel


@functools.lru_cache(maxsize=None)
def _make_agg_kernel(npad, ept):
    rpt = npad // NS
    nchunks = ept // B

    @functools.partial(
        pl.kernel,
        out_type=jax.ShapeDtypeStruct((NC, npad, 128), jnp.float32),
        mesh=_sc_mesh(),
        scratch_types=[
            pltpu.VMEM((B,), jnp.int32),
            pltpu.VMEM((B,), jnp.int32),
            pltpu.VMEM((B, 128), jnp.float32),
            pltpu.VMEM_SHARED((npad, 128), jnp.float32),
            pltpu.SemaphoreType.DMA,
        ],
    )
    def agg_kernel(y_hbm, src_hbm, dst_hbm, zeros_hbm, out_hbm,
                   src_v, dst_v, rows_v, acc_sh, sem):
        c = lax.axis_index("c")
        s = lax.axis_index("s")
        wid = s * NC + c
        row0 = s * rpt
        pltpu.sync_copy(zeros_hbm, acc_sh.at[pl.ds(row0, rpt)])
        plsc.subcore_barrier()
        base = wid * ept

        def body(i, carry):
            off = base + i * B
            pltpu.sync_copy(src_hbm.at[pl.ds(off, B)], src_v)
            pltpu.sync_copy(dst_hbm.at[pl.ds(off, B)], dst_v)
            pltpu.async_copy(y_hbm.at[src_v], rows_v, sem).wait()
            pltpu.sync_copy(rows_v, acc_sh.at[dst_v], add=True)
            return carry

        lax.fori_loop(0, nchunks, body, 0)
        plsc.subcore_barrier()
        pltpu.sync_copy(acc_sh.at[pl.ds(row0, rpt)], out_hbm.at[c, pl.ds(row0, rpt)])

    return agg_kernel


def _tc1_body(x_ref, degp_ref, w1_ref, y_ref, dinv_ref):
    dp = degp_ref[...]
    deg = dp[0, :, 0:1] + dp[1, :, 0:1] + 1.0
    dinv = lax.rsqrt(deg)
    xw = jnp.dot(x_ref[...], w1_ref[...], preferred_element_type=jnp.float32)
    y_ref[...] = xw * dinv
    dinv_ref[...] = dinv


def _tc2_body(y1_ref, p_ref, dinv_ref, b1_ref, w2_ref, y2_ref):
    pr = p_ref[...]
    dinv = dinv_ref[...]
    h = jnp.maximum(dinv * (pr[0] + pr[1] + y1_ref[...]) + b1_ref[...], 0.0)
    y2_ref[...] = jnp.dot(h, w2_ref[...], preferred_element_type=jnp.float32) * dinv


def _tc3_body(y2_ref, q_ref, dinv_ref, b2_ref, wout_ref, bout_ref, o_ref):
    qr = q_ref[...]
    h = jnp.maximum(dinv_ref[...] * (qr[0] + qr[1] + y2_ref[...]) + b2_ref[...], 0.0)
    o_ref[...] = jnp.dot(h, wout_ref[...], preferred_element_type=jnp.float32) + bout_ref[...]


def kernel(x, edge_index, W1, b1, W2, b2, Wout, bout):
    n, d = x.shape
    h_dim = W1.shape[1]
    c_dim = Wout.shape[1]
    e = edge_index.shape[1]

    npad = -(-(n + 1) // (NS * 8)) * (NS * 8)
    nchunks = -(-e // (NW * B))
    ep = nchunks * NW * B
    ept = nchunks * B
    rpt = npad // NS

    src = edge_index[0]
    dst = edge_index[1]
    pad = ep - e
    if pad:
        src = jnp.concatenate([src, jnp.zeros((pad,), src.dtype)])
        dst = jnp.concatenate([dst, jnp.full((pad,), n, dst.dtype)])
    src = src.astype(jnp.int32)
    dst = dst.astype(jnp.int32)

    ones16 = jnp.ones((B, 16), jnp.float32)
    zeros16 = jnp.zeros((rpt, 16), jnp.float32)
    zeros128 = jnp.zeros((rpt, 128), jnp.float32)

    deg_k = _make_deg_kernel(npad, ept)
    agg_k = _make_agg_kernel(npad, ept)

    degp = deg_k(dst, ones16, zeros16)

    r = 2000
    grid = (n // r,)
    bcast = lambda i: (0, 0)
    row_im = lambda i: (i, 0)
    part_im = lambda i: (0, i, 0)

    y1, dinv = pl.pallas_call(
        _tc1_body,
        grid=grid,
        in_specs=[
            pl.BlockSpec((r, d), row_im),
            pl.BlockSpec((NC, r, 16), part_im),
            pl.BlockSpec((d, h_dim), bcast),
        ],
        out_specs=[
            pl.BlockSpec((r, h_dim), row_im),
            pl.BlockSpec((r, 1), row_im),
        ],
        out_shape=[
            jax.ShapeDtypeStruct((n, h_dim), jnp.float32),
            jax.ShapeDtypeStruct((n, 1), jnp.float32),
        ],
    )(x, degp, W1)

    p1 = agg_k(y1, src, dst, zeros128)

    y2 = pl.pallas_call(
        _tc2_body,
        grid=grid,
        in_specs=[
            pl.BlockSpec((r, h_dim), row_im),
            pl.BlockSpec((NC, r, h_dim), part_im),
            pl.BlockSpec((r, 1), row_im),
            pl.BlockSpec((1, h_dim), bcast),
            pl.BlockSpec((h_dim, h_dim), bcast),
        ],
        out_specs=pl.BlockSpec((r, h_dim), row_im),
        out_shape=jax.ShapeDtypeStruct((n, h_dim), jnp.float32),
    )(y1, p1, dinv, b1.reshape(1, -1), W2)

    p2 = agg_k(y2, src, dst, zeros128)

    out = pl.pallas_call(
        _tc3_body,
        grid=grid,
        in_specs=[
            pl.BlockSpec((r, h_dim), row_im),
            pl.BlockSpec((NC, r, h_dim), part_im),
            pl.BlockSpec((r, 1), row_im),
            pl.BlockSpec((1, h_dim), bcast),
            pl.BlockSpec((h_dim, c_dim), bcast),
            pl.BlockSpec((1, c_dim), bcast),
        ],
        out_specs=pl.BlockSpec((r, c_dim), row_im),
        out_shape=jax.ShapeDtypeStruct((n, c_dim), jnp.float32),
    )(y2, p2, dinv, b2.reshape(1, -1), Wout, bout.reshape(1, -1))

    return out

# --- scband reference (transcript-rebuilt; emitter-appended) ---
"""Pipeline reference for scband-gm-gcn-51780125721472 (READ-ONLY COPY).

The authoritative reference and input builder live on the scoring server;
editing this copy changes nothing except your own understanding.
"""

import jax, jax.numpy as jnp
import numpy as np

N = 10000
E = 320000
D = 128
H = 128
C = 40


def setup_inputs(seed: int = 0) -> dict:
    key = jax.random.key(seed)
    ks = jax.random.split(key, 8)
    x = jax.random.normal(ks[0], (N, D), dtype=jnp.float32)
    edge_index = jax.random.randint(ks[1], (2, E), 0, N)
    W1 = jax.random.normal(ks[2], (D, H), dtype=jnp.float32) * 0.05
    b1 = jnp.zeros((H,), dtype=jnp.float32)
    W2 = jax.random.normal(ks[3], (H, H), dtype=jnp.float32) * 0.05
    b2 = jnp.zeros((H,), dtype=jnp.float32)
    Wout = jax.random.normal(ks[4], (H, C), dtype=jnp.float32) * 0.05
    bout = jnp.zeros((C,), dtype=jnp.float32)
    return {"x": x, "edge_index": edge_index, "W1": W1, "b1": b1, "W2": W2, "b2": b2, "Wout": Wout, "bout": bout}


def gcn_layer(x, edge_index, W, b):
    # GCNConv with normalize=True, add_self_loops=True (PyG gcn_norm), improved=False
    n = x.shape[0]
    src = edge_index[0]
    dst = edge_index[1]
    loop = jnp.arange(n, dtype=src.dtype)
    src_full = jnp.concatenate([src, loop])
    dst_full = jnp.concatenate([dst, loop])
    ew = jnp.ones(src_full.shape[0], dtype=x.dtype)
    deg = jax.ops.segment_sum(ew, dst_full, num_segments=n)
    deg_inv_sqrt = jnp.where(deg > 0, 1.0 / jnp.sqrt(deg), 0.0)
    norm = deg_inv_sqrt[src_full] * ew * deg_inv_sqrt[dst_full]
    xw = x @ W
    # message: edge_weight.view(-1,1) * x_j ; aggregate: scatter-add to dst
    msg = norm[:, None] * jnp.take(xw, src_full, axis=0)
    out = jax.ops.segment_sum(msg, dst_full, num_segments=n)
    return out + b


def reference(x, edge_index, W1, b1, W2, b2, Wout, bout):
    h = jax.nn.relu(gcn_layer(x, edge_index, W1, b1))
    # dropout p=0 -> identity
    h = jax.nn.relu(gcn_layer(h, edge_index, W2, b2))
    return h @ Wout + bout

if __name__ == "__main__":
    import jax
    _d = setup_inputs()
    print(jax.jit(kernel)(*tuple(_d.values())))

</pallas_src>

<mosaic_0001>
#map = affine_map<(d0, d1) -> (0, 0)>
#map1 = affine_map<(d0, d1) -> (0)>
#map2 = affine_map<(d0, d1) -> (0, 0, 0)>
module attributes {stable_mosaic.version = 14 : i64} {
  func.func @agg_kernel(%arg0: i32, %arg1: i32, %arg2: memref<10000x128xf32, #tpu.memory_space<hbm>>, %arg3: memref<323584xi32, #tpu.memory_space<hbm>>, %arg4: memref<323584xi32, #tpu.memory_space<hbm>>, %arg5: memref<632x128xf32, #tpu.memory_space<hbm>>, %arg6: memref<2x10112x128xf32, #tpu.memory_space<hbm>>, %arg7: memref<128xi32, #tpu.memory_space<vmem>>, %arg8: memref<128xi32, #tpu.memory_space<vmem>>, %arg9: memref<128x128xf32, #tpu.memory_space<vmem>>, %arg10: memref<10112x128xf32, #tpu.memory_space<vmem_shared>>, %arg11: memref<!tpu.dma_semaphore, #tpu.memory_space<semaphore_mem>>) attributes {dimension_semantics = [#tpu.dimension_semantics<core_parallel>, #tpu.dimension_semantics<subcore_parallel>], iteration_bounds = array<i64: 2, 16>, scalar_prefetch = 0 : i64, scratch_operands = 5 : i64, tpu.core_type = #tpu.core_type<sc_vector_subcore>, window_params = [{transform_indices = #map}, {transform_indices = #map1}, {transform_indices = #map1}, {transform_indices = #map}, {transform_indices = #map2}]} {
    %mul3A = arith.constant 2 : i32
    %mul3A_0 = arith.muli %arg1, %mul3A : i32
    %add3A = arith.addi %mul3A_0, %arg0 : i32
    %mul3A_1 = arith.constant 632 : i32
    %mul3A_2 = arith.muli %arg1, %mul3A_1 : i32
    "tpu.region"() ({
      %run_scoped3A = tpu.sem_alloc : memref<!tpu.dma_semaphore, #tpu.memory_space<semaphore_mem>>
      %dma_start3A = arith.constant 0 : i32
      %dma_start3A_11 = tpu.memref_slice %arg10[%mul3A_2, %dma_start3A] : memref<10112x128xf32, #tpu.memory_space<vmem_shared>> -> memref<632x128xf32, #tpu.memory_space<vmem_shared>>
      tpu.enqueue_dma source(%arg5 : memref<632x128xf32, #tpu.memory_space<hbm>>) target(%dma_start3A_11 : memref<632x128xf32, #tpu.memory_space<vmem_shared>>) target_semaphore(%run_scoped3A : memref<!tpu.dma_semaphore, #tpu.memory_space<semaphore_mem>>)
      %dma_wait3A = arith.constant 0 : i32
      %dma_wait3A_12 = tpu.memref_slice %arg10[%mul3A_2, %dma_wait3A] : memref<10112x128xf32, #tpu.memory_space<vmem_shared>> -> memref<632x128xf32, #tpu.memory_space<vmem_shared>>
      tpu.wait_dma2 semaphore(%run_scoped3A : memref<!tpu.dma_semaphore, #tpu.memory_space<semaphore_mem>>) src(%arg5 : memref<632x128xf32, #tpu.memory_space<hbm>>) dst(%dma_wait3A_12 : memref<632x128xf32, #tpu.memory_space<vmem_shared>>)
      tpu.yield
    }) : () -> ()
    %barrier3A = arith.constant 0 : index
    tpu.barrier barrier_id(%barrier3A)
    %mul3A_3 = arith.constant 10112 : i32
    %mul3A_4 = arith.muli %add3A, %mul3A_3 : i32
    %scan3A = arith.constant 0 : i32
    %scan3A_5 = arith.constant 0 : i32
    %scan3A_6 = arith.constant 79 : i32
    %scan3A_7 = arith.addi %scan3A_5, %scan3A_6 : i32
    %scan3A_8 = arith.constant 1 : i32
    scf.for %scan3A_11 = %scan3A_5 to %scan3A_7 step %scan3A_8  : i32 {
      %mul3A_12 = arith.constant 128 : i32
      %mul3A_13 = arith.muli %scan3A_11, %mul3A_12 : i32
      %add3A_14 = arith.addi %mul3A_4, %mul3A_13 : i32
      "tpu.region"() ({
        %run_scoped3A = tpu.sem_alloc : memref<!tpu.dma_semaphore, #tpu.memory_space<semaphore_mem>>
        %dma_start3A_19 = tpu.memref_slice %arg3[%add3A_14] : memref<323584xi32, #tpu.memory_space<hbm>> -> memref<128xi32, #tpu.memory_space<hbm>>
        %dma_start3A_20 = tpu.memref_slice %arg3[%add3A_14] : memref<323584xi32, #tpu.memory_space<hbm>> -> memref<128xi32, #tpu.memory_space<hbm>>
        tpu.enqueue_dma source(%dma_start3A_20 : memref<128xi32, #tpu.memory_space<hbm>>) target(%arg7 : memref<128xi32, #tpu.memory_space<vmem>>) target_semaphore(%run_scoped3A : memref<!tpu.dma_semaphore, #tpu.memory_space<semaphore_mem>>)
        %dma_wait3A_21 = tpu.memref_slice %arg3[%add3A_14] : memref<323584xi32, #tpu.memory_space<hbm>> -> memref<128xi32, #tpu.memory_space<hbm>>
        %dma_wait3A_22 = tpu.memref_slice %arg3[%add3A_14] : memref<323584xi32, #tpu.memory_space<hbm>> -> memref<128xi32, #tpu.memory_space<hbm>>
        tpu.wait_dma2 semaphore(%run_scoped3A : memref<!tpu.dma_semaphore, #tpu.memory_space<semaphore_mem>>) src(%dma_wait3A_22 : memref<128xi32, #tpu.memory_space<hbm>>) dst(%arg7 : memref<128xi32, #tpu.memory_space<vmem>>)
        tpu.yield
      }) : () -> ()
      "tpu.region"() ({
        %run_scoped3A = tpu.sem_alloc : memref<!tpu.dma_semaphore, #tpu.memory_space<semaphore_mem>>
        %dma_start3A_19 = tpu.memref_slice %arg4[%add3A_14] : memref<323584xi32, #tpu.memory_space<hbm>> -> memref<128xi32, #tpu.memory_space<hbm>>
        %dma_start3A_20 = tpu.memref_slice %arg4[%add3A_14] : memref<323584xi32, #tpu.memory_space<hbm>> -> memref<128xi32, #tpu.memory_space<hbm>>
        tpu.enqueue_dma source(%dma_start3A_20 : memref<128xi32, #tpu.memory_space<hbm>>) target(%arg8 : memref<128xi32, #tpu.memory_space<vmem>>) target_semaphore(%run_scoped3A : memref<!tpu.dma_semaphore, #tpu.memory_space<semaphore_mem>>)
        %dma_wait3A_21 = tpu.memref_slice %arg4[%add3A_14] : memref<323584xi32, #tpu.memory_space<hbm>> -> memref<128xi32, #tpu.memory_space<hbm>>
        %dma_wait3A_22 = tpu.memref_slice %arg4[%add3A_14] : memref<323584xi32, #tpu.memory_space<hbm>> -> memref<128xi32, #tpu.memory_space<hbm>>
        tpu.wait_dma2 semaphore(%run_scoped3A : memref<!tpu.dma_semaphore, #tpu.memory_space<semaphore_mem>>) src(%dma_wait3A_22 : memref<128xi32, #tpu.memory_space<hbm>>) dst(%arg8 : memref<128xi32, #tpu.memory_space<vmem>>)
        tpu.yield
      }) : () -> ()
      %dma_start3A = arith.constant 0 : i32
      %dma_start3A_15 = arith.constant 0 : i32
      %dma_start3A_16 = tpu.memref_slice %arg2[%dma_start3A, %dma_start3A_15] : memref<10000x128xf32, #tpu.memory_space<hbm>> -> memref<10000x128xf32, #tpu.memory_space<hbm>>
      tpu.enqueue_indirect_dma source(%dma_start3A_16 : memref<10000x128xf32, #tpu.memory_space<hbm>>) target(%arg9 : memref<128x128xf32, #tpu.memory_space<vmem>>) offsets(%arg7 : memref<128xi32, #tpu.memory_space<vmem>>) semaphore(%arg11 : memref<!tpu.dma_semaphore, #tpu.memory_space<semaphore_mem>>)
      %dma_wait3A = arith.constant 0 : i32
      %dma_wait3A_17 = arith.constant 0 : i32
      %dma_wait3A_18 = tpu.memref_slice %arg2[%dma_wait3A, %dma_wait3A_17] : memref<10000x128xf32, #tpu.memory_space<hbm>> -> memref<10000x128xf32, #tpu.memory_space<hbm>>
      tpu.wait_indirect_dma semaphore(%arg11 : memref<!tpu.dma_semaphore, #tpu.memory_space<semaphore_mem>>) src(%dma_wait3A_18 : memref<10000x128xf32, #tpu.memory_space<hbm>>) dst(%arg9 : memref<128x128xf32, #tpu.memory_space<vmem>>)
      "tpu.region"() ({
        %run_scoped3A = tpu.sem_alloc : memref<!tpu.dma_semaphore, #tpu.memory_space<semaphore_mem>>
        %dma_start3A_19 = arith.constant 0 : i32
        %dma_start3A_20 = arith.constant 0 : i32
        %dma_start3A_21 = tpu.memref_slice %arg10[%dma_start3A_19, %dma_start3A_20] : memref<10112x128xf32, #tpu.memory_space<vmem_shared>> -> memref<10112x128xf32, #tpu.memory_space<vmem_shared>>
        tpu.enqueue_indirect_dma source(%arg9 : memref<128x128xf32, #tpu.memory_space<vmem>>) target(%dma_start3A_21 : memref<10112x128xf32, #tpu.memory_space<vmem_shared>>) offsets(%arg8 : memref<128xi32, #tpu.memory_space<vmem>>) semaphore(%run_scoped3A : memref<!tpu.dma_semaphore, #tpu.memory_space<semaphore_mem>>) {add = true}
        %dma_wait3A_22 = arith.constant 0 : i32
        %dma_wait3A_23 = arith.constant 0 : i32
        %dma_wait3A_24 = tpu.memref_slice %arg10[%dma_wait3A_22, %dma_wait3A_23] : memref<10112x128xf32, #tpu.memory_space<vmem_shared>> -> memref<10112x128xf32, #tpu.memory_space<vmem_shared>>
        tpu.wait_indirect_dma semaphore(%run_scoped3A : memref<!tpu.dma_semaphore, #tpu.memory_space<semaphore_mem>>) src(%arg9 : memref<128x128xf32, #tpu.memory_space<vmem>>) dst(%dma_wait3A_24 : memref<10112x128xf32, #tpu.memory_space<vmem_shared>>)
        tpu.yield
      }) : () -> ()
    }
    %scan3A_9 = arith.constant 79 : i32
    %barrier3A_10 = arith.constant 0 : index
    tpu.barrier barrier_id(%barrier3A_10)
    "tpu.region"() ({
      %run_scoped3A = tpu.sem_alloc : memref<!tpu.dma_semaphore, #tpu.memory_space<semaphore_mem>>
      %dma_start3A = arith.constant 0 : i32
      %dma_start3A_11 = tpu.memref_slice %arg6[%arg0, %mul3A_2, %dma_start3A] : memref<2x10112x128xf32, #tpu.memory_space<hbm>> -> memref<1x632x128xf32, #tpu.memory_space<hbm>>
      %dma_start3A_12 = tpu.memref_squeeze %dma_start3A_11 : memref<1x632x128xf32, #tpu.memory_space<hbm>> -> memref<632x128xf32, #tpu.memory_space<hbm>>
      %dma_start3A_13 = arith.constant 0 : i32
      %dma_start3A_14 = tpu.memref_slice %arg10[%mul3A_2, %dma_start3A_13] : memref<10112x128xf32, #tpu.memory_space<vmem_shared>> -> memref<632x128xf32, #tpu.memory_space<vmem_shared>>
      tpu.enqueue_dma source(%dma_start3A_14 : memref<632x128xf32, #tpu.memory_space<vmem_shared>>) target(%dma_start3A_12 : memref<632x128xf32, #tpu.memory_space<hbm>>) target_semaphore(%run_scoped3A : memref<!tpu.dma_semaphore, #tpu.memory_space<semaphore_mem>>)
      %dma_wait3A = arith.constant 0 : i32
      %dma_wait3A_15 = tpu.memref_slice %arg6[%arg0, %mul3A_2, %dma_wait3A] : memref<2x10112x128xf32, #tpu.memory_space<hbm>> -> memref<1x632x128xf32, #tpu.memory_space<hbm>>
      %dma_wait3A_16 = tpu.memref_squeeze %dma_wait3A_15 : memref<1x632x128xf32, #tpu.memory_space<hbm>> -> memref<632x128xf32, #tpu.memory_space<hbm>>
      %dma_wait3A_17 = arith.constant 0 : i32
      %dma_wait3A_18 = tpu.memref_slice %arg10[%mul3A_2, %dma_wait3A_17] : memref<10112x128xf32, #tpu.memory_space<vmem_shared>> -> memref<632x128xf32, #tpu.memory_space<vmem_shared>>
      tpu.wait_dma2 semaphore(%run_scoped3A : memref<!tpu.dma_semaphore, #tpu.memory_space<semaphore_mem>>) src(%dma_wait3A_18 : memref<632x128xf32, #tpu.memory_space<vmem_shared>>) dst(%dma_wait3A_16 : memref<632x128xf32, #tpu.memory_space<hbm>>)
      tpu.yield
    }) : () -> ()
    return
  }
}

#map = affine_map<(d0, d1) -> (0)>
#map1 = affine_map<(d0, d1) -> (0, 0)>
#map2 = affine_map<(d0, d1) -> (0, 0, 0)>
module attributes {stable_mosaic.version = 14 : i64} {
  func.func @deg_kernel(%arg0: i32, %arg1: i32, %arg2: memref<323584xi32, #tpu.memory_space<hbm>>, %arg3: memref<128x16xf32, #tpu.memory_space<hbm>>, %arg4: memref<632x16xf32, #tpu.memory_space<hbm>>, %arg5: memref<2x10112x16xf32, #tpu.memory_space<hbm>>, %arg6: memref<128xi32, #tpu.memory_space<vmem>>, %arg7: memref<128x16xf32, #tpu.memory_space<vmem>>, %arg8: memref<10112x16xf32, #tpu.memory_space<vmem_shared>>) attributes {dimension_semantics = [#tpu.dimension_semantics<core_parallel>, #tpu.dimension_semantics<subcore_parallel>], iteration_bounds = array<i64: 2, 16>, scalar_prefetch = 0 : i64, scratch_operands = 3 : i64, tpu.core_type = #tpu.core_type<sc_vector_subcore>, window_params = [{transform_indices = #map}, {transform_indices = #map1}, {transform_indices = #map1}, {transform_indices = #map2}]} {
    %mul3A = arith.constant 2 : i32
    %mul3A_0 = arith.muli %arg1, %mul3A : i32
    %add3A = arith.addi %mul3A_0, %arg0 : i32
    %mul3A_1 = arith.constant 632 : i32
    %mul3A_2 = arith.muli %arg1, %mul3A_1 : i32
    "tpu.region"() ({
      %run_scoped3A = tpu.sem_alloc : memref<!tpu.dma_semaphore, #tpu.memory_space<semaphore_mem>>
      %dma_start3A = arith.constant 0 : i32
      %dma_start3A_11 = tpu.memref_slice %arg8[%mul3A_2, %dma_start3A] : memref<10112x16xf32, #tpu.memory_space<vmem_shared>> -> memref<632x16xf32, #tpu.memory_space<vmem_shared>>
      tpu.enqueue_dma source(%arg4 : memref<632x16xf32, #tpu.memory_space<hbm>>) target(%dma_start3A_11 : memref<632x16xf32, #tpu.memory_space<vmem_shared>>) target_semaphore(%run_scoped3A : memref<!tpu.dma_semaphore, #tpu.memory_space<semaphore_mem>>)
      %dma_wait3A = arith.constant 0 : i32
      %dma_wait3A_12 = tpu.memref_slice %arg8[%mul3A_2, %dma_wait3A] : memref<10112x16xf32, #tpu.memory_space<vmem_shared>> -> memref<632x16xf32, #tpu.memory_space<vmem_shared>>
      tpu.wait_dma2 semaphore(%run_scoped3A : memref<!tpu.dma_semaphore, #tpu.memory_space<semaphore_mem>>) src(%arg4 : memref<632x16xf32, #tpu.memory_space<hbm>>) dst(%dma_wait3A_12 : memref<632x16xf32, #tpu.memory_space<vmem_shared>>)
      tpu.yield
    }) : () -> ()
    "tpu.region"() ({
      %run_scoped3A = tpu.sem_alloc : memref<!tpu.dma_semaphore, #tpu.memory_space<semaphore_mem>>
      tpu.enqueue_dma source(%arg3 : memref<128x16xf32, #tpu.memory_space<hbm>>) target(%arg7 : memref<128x16xf32, #tpu.memory_space<vmem>>) target_semaphore(%run_scoped3A : memref<!tpu.dma_semaphore, #tpu.memory_space<semaphore_mem>>)
      tpu.wait_dma2 semaphore(%run_scoped3A : memref<!tpu.dma_semaphore, #tpu.memory_space<semaphore_mem>>) src(%arg3 : memref<128x16xf32, #tpu.memory_space<hbm>>) dst(%arg7 : memref<128x16xf32, #tpu.memory_space<vmem>>)
      tpu.yield
    }) : () -> ()
    %barrier3A = arith.constant 0 : index
    tpu.barrier barrier_id(%barrier3A)
    %mul3A_3 = arith.constant 10112 : i32
    %mul3A_4 = arith.muli %add3A, %mul3A_3 : i32
    %scan3A = arith.constant 0 : i32
    %scan3A_5 = arith.constant 0 : i32
    %scan3A_6 = arith.constant 79 : i32
    %scan3A_7 = arith.addi %scan3A_5, %scan3A_6 : i32
    %scan3A_8 = arith.constant 1 : i32
    scf.for %scan3A_11 = %scan3A_5 to %scan3A_7 step %scan3A_8  : i32 {
      %mul3A_12 = arith.constant 128 : i32
      %mul3A_13 = arith.muli %scan3A_11, %mul3A_12 : i32
      %add3A_14 = arith.addi %mul3A_4, %mul3A_13 : i32
      "tpu.region"() ({
        %run_scoped3A = tpu.sem_alloc : memref<!tpu.dma_semaphore, #tpu.memory_space<semaphore_mem>>
        %dma_start3A = tpu.memref_slice %arg2[%add3A_14] : memref<323584xi32, #tpu.memory_space<hbm>> -> memref<128xi32, #tpu.memory_space<hbm>>
        %dma_start3A_15 = tpu.memref_slice %arg2[%add3A_14] : memref<323584xi32, #tpu.memory_space<hbm>> -> memref<128xi32, #tpu.memory_space<hbm>>
        tpu.enqueue_dma source(%dma_start3A_15 : memref<128xi32, #tpu.memory_space<hbm>>) target(%arg6 : memref<128xi32, #tpu.memory_space<vmem>>) target_semaphore(%run_scoped3A : memref<!tpu.dma_semaphore, #tpu.memory_space<semaphore_mem>>)
        %dma_wait3A = tpu.memref_slice %arg2[%add3A_14] : memref<323584xi32, #tpu.memory_space<hbm>> -> memref<128xi32, #tpu.memory_space<hbm>>
        %dma_wait3A_16 = tpu.memref_slice %arg2[%add3A_14] : memref<323584xi32, #tpu.memory_space<hbm>> -> memref<128xi32, #tpu.memory_space<hbm>>
        tpu.wait_dma2 semaphore(%run_scoped3A : memref<!tpu.dma_semaphore, #tpu.memory_space<semaphore_mem>>) src(%dma_wait3A_16 : memref<128xi32, #tpu.memory_space<hbm>>) dst(%arg6 : memref<128xi32, #tpu.memory_space<vmem>>)
        tpu.yield
      }) : () -> ()
      "tpu.region"() ({
        %run_scoped3A = tpu.sem_alloc : memref<!tpu.dma_semaphore, #tpu.memory_space<semaphore_mem>>
        %dma_start3A = arith.constant 0 : i32
        %dma_start3A_15 = arith.constant 0 : i32
        %dma_start3A_16 = tpu.memref_slice %arg8[%dma_start3A, %dma_start3A_15] : memref<10112x16xf32, #tpu.memory_space<vmem_shared>> -> memref<10112x16xf32, #tpu.memory_space<vmem_shared>>
        tpu.enqueue_indirect_dma source(%arg7 : memref<128x16xf32, #tpu.memory_space<vmem>>) target(%dma_start3A_16 : memref<10112x16xf32, #tpu.memory_space<vmem_shared>>) offsets(%arg6 : memref<128xi32, #tpu.memory_space<vmem>>) semaphore(%run_scoped3A : memref<!tpu.dma_semaphore, #tpu.memory_space<semaphore_mem>>) {add = true}
        %dma_wait3A = arith.constant 0 : i32
        %dma_wait3A_17 = arith.constant 0 : i32
        %dma_wait3A_18 = tpu.memref_slice %arg8[%dma_wait3A, %dma_wait3A_17] : memref<10112x16xf32, #tpu.memory_space<vmem_shared>> -> memref<10112x16xf32, #tpu.memory_space<vmem_shared>>
        tpu.wait_indirect_dma semaphore(%run_scoped3A : memref<!tpu.dma_semaphore, #tpu.memory_space<semaphore_mem>>) src(%arg7 : memref<128x16xf32, #tpu.memory_space<vmem>>) dst(%dma_wait3A_18 : memref<10112x16xf32, #tpu.memory_space<vmem_shared>>)
        tpu.yield
      }) : () -> ()
    }
    %scan3A_9 = arith.constant 79 : i32
    %barrier3A_10 = arith.constant 0 : index
    tpu.barrier barrier_id(%barrier3A_10)
    "tpu.region"() ({
      %run_scoped3A = tpu.sem_alloc : memref<!tpu.dma_semaphore, #tpu.memory_space<semaphore_mem>>
      %dma_start3A = arith.constant 0 : i32
      %dma_start3A_11 = tpu.memref_slice %arg5[%arg0, %mul3A_2, %dma_start3A] : memref<2x10112x16xf32, #tpu.memory_space<hbm>> -> memref<1x632x16xf32, #tpu.memory_space<hbm>>
      %dma_start3A_12 = tpu.memref_squeeze %dma_start3A_11 : memref<1x632x16xf32, #tpu.memory_space<hbm>> -> memref<632x16xf32, #tpu.memory_space<hbm>>
      %dma_start3A_13 = arith.constant 0 : i32
      %dma_start3A_14 = tpu.memref_slice %arg8[%mul3A_2, %dma_start3A_13] : memref<10112x16xf32, #tpu.memory_space<vmem_shared>> -> memref<632x16xf32, #tpu.memory_space<vmem_shared>>
      tpu.enqueue_dma source(%dma_start3A_14 : memref<632x16xf32, #tpu.memory_space<vmem_shared>>) target(%dma_start3A_12 : memref<632x16xf32, #tpu.memory_space<hbm>>) target_semaphore(%run_scoped3A : memref<!tpu.dma_semaphore, #tpu.memory_space<semaphore_mem>>)
      %dma_wait3A = arith.constant 0 : i32
      %dma_wait3A_15 = tpu.memref_slice %arg5[%arg0, %mul3A_2, %dma_wait3A] : memref<2x10112x16xf32, #tpu.memory_space<hbm>> -> memref<1x632x16xf32, #tpu.memory_space<hbm>>
      %dma_wait3A_16 = tpu.memref_squeeze %dma_wait3A_15 : memref<1x632x16xf32, #tpu.memory_space<hbm>> -> memref<632x16xf32, #tpu.memory_space<hbm>>
      %dma_wait3A_17 = arith.constant 0 : i32
      %dma_wait3A_18 = tpu.memref_slice %arg8[%mul3A_2, %dma_wait3A_17] : memref<10112x16xf32, #tpu.memory_space<vmem_shared>> -> memref<632x16xf32, #tpu.memory_space<vmem_shared>>
      tpu.wait_dma2 semaphore(%run_scoped3A : memref<!tpu.dma_semaphore, #tpu.memory_space<semaphore_mem>>) src(%dma_wait3A_18 : memref<632x16xf32, #tpu.memory_space<vmem_shared>>) dst(%dma_wait3A_16 : memref<632x16xf32, #tpu.memory_space<hbm>>)
      tpu.yield
    }) : () -> ()
    return
  }
}

#map = affine_map<(d0, d1) -> (0, 0)>
#map1 = affine_map<(d0, d1) -> (0)>
#map2 = affine_map<(d0, d1) -> (0, 0, 0)>
module attributes {stable_mosaic.version = 14 : i64} {
  func.func @agg_kernel(%arg0: i32, %arg1: i32, %arg2: memref<10000x128xf32, #tpu.memory_space<hbm>>, %arg3: memref<323584xi32, #tpu.memory_space<hbm>>, %arg4: memref<323584xi32, #tpu.memory_space<hbm>>, %arg5: memref<632x128xf32, #tpu.memory_space<hbm>>, %arg6: memref<2x10112x128xf32, #tpu.memory_space<hbm>>, %arg7: memref<128xi32, #tpu.memory_space<vmem>>, %arg8: memref<128xi32, #tpu.memory_space<vmem>>, %arg9: memref<128x128xf32, #tpu.memory_space<vmem>>, %arg10: memref<10112x128xf32, #tpu.memory_space<vmem_shared>>, %arg11: memref<!tpu.dma_semaphore, #tpu.memory_space<semaphore_mem>>) attributes {dimension_semantics = [#tpu.dimension_semantics<core_parallel>, #tpu.dimension_semantics<subcore_parallel>], iteration_bounds = array<i64: 2, 16>, scalar_prefetch = 0 : i64, scratch_operands = 5 : i64, tpu.core_type = #tpu.core_type<sc_vector_subcore>, window_params = [{transform_indices = #map}, {transform_indices = #map1}, {transform_indices = #map1}, {transform_indices = #map}, {transform_indices = #map2}]} {
    %mul3A = arith.constant 2 : i32
    %mul3A_0 = arith.muli %arg1, %mul3A : i32
    %add3A = arith.addi %mul3A_0, %arg0 : i32
    %mul3A_1 = arith.constant 632 : i32
    %mul3A_2 = arith.muli %arg1, %mul3A_1 : i32
    "tpu.region"() ({
      %run_scoped3A = tpu.sem_alloc : memref<!tpu.dma_semaphore, #tpu.memory_space<semaphore_mem>>
      %dma_start3A = arith.constant 0 : i32
      %dma_start3A_11 = tpu.memref_slice %arg10[%mul3A_2, %dma_start3A] : memref<10112x128xf32, #tpu.memory_space<vmem_shared>> -> memref<632x128xf32, #tpu.memory_space<vmem_shared>>
      tpu.enqueue_dma source(%arg5 : memref<632x128xf32, #tpu.memory_space<hbm>>) target(%dma_start3A_11 : memref<632x128xf32, #tpu.memory_space<vmem_shared>>) target_semaphore(%run_scoped3A : memref<!tpu.dma_semaphore, #tpu.memory_space<semaphore_mem>>)
      %dma_wait3A = arith.constant 0 : i32
      %dma_wait3A_12 = tpu.memref_slice %arg10[%mul3A_2, %dma_wait3A] : memref<10112x128xf32, #tpu.memory_space<vmem_shared>> -> memref<632x128xf32, #tpu.memory_space<vmem_shared>>
      tpu.wait_dma2 semaphore(%run_scoped3A : memref<!tpu.dma_semaphore, #tpu.memory_space<semaphore_mem>>) src(%arg5 : memref<632x128xf32, #tpu.memory_space<hbm>>) dst(%dma_wait3A_12 : memref<632x128xf32, #tpu.memory_space<vmem_shared>>)
      tpu.yield
    }) : () -> ()
    %barrier3A = arith.constant 0 : index
    tpu.barrier barrier_id(%barrier3A)
    %mul3A_3 = arith.constant 10112 : i32
    %mul3A_4 = arith.muli %add3A, %mul3A_3 : i32
    %scan3A = arith.constant 0 : i32
    %scan3A_5 = arith.constant 0 : i32
    %scan3A_6 = arith.constant 79 : i32
    %scan3A_7 = arith.addi %scan3A_5, %scan3A_6 : i32
    %scan3A_8 = arith.constant 1 : i32
    scf.for %scan3A_11 = %scan3A_5 to %scan3A_7 step %scan3A_8  : i32 {
      %mul3A_12 = arith.constant 128 : i32
      %mul3A_13 = arith.muli %scan3A_11, %mul3A_12 : i32
      %add3A_14 = arith.addi %mul3A_4, %mul3A_13 : i32
      "tpu.region"() ({
        %run_scoped3A = tpu.sem_alloc : memref<!tpu.dma_semaphore, #tpu.memory_space<semaphore_mem>>
        %dma_start3A_19 = tpu.memref_slice %arg3[%add3A_14] : memref<323584xi32, #tpu.memory_space<hbm>> -> memref<128xi32, #tpu.memory_space<hbm>>
        %dma_start3A_20 = tpu.memref_slice %arg3[%add3A_14] : memref<323584xi32, #tpu.memory_space<hbm>> -> memref<128xi32, #tpu.memory_space<hbm>>
        tpu.enqueue_dma source(%dma_start3A_20 : memref<128xi32, #tpu.memory_space<hbm>>) target(%arg7 : memref<128xi32, #tpu.memory_space<vmem>>) target_semaphore(%run_scoped3A : memref<!tpu.dma_semaphore, #tpu.memory_space<semaphore_mem>>)
        %dma_wait3A_21 = tpu.memref_slice %arg3[%add3A_14] : memref<323584xi32, #tpu.memory_space<hbm>> -> memref<128xi32, #tpu.memory_space<hbm>>
        %dma_wait3A_22 = tpu.memref_slice %arg3[%add3A_14] : memref<323584xi32, #tpu.memory_space<hbm>> -> memref<128xi32, #tpu.memory_space<hbm>>
        tpu.wait_dma2 semaphore(%run_scoped3A : memref<!tpu.dma_semaphore, #tpu.memory_space<semaphore_mem>>) src(%dma_wait3A_22 : memref<128xi32, #tpu.memory_space<hbm>>) dst(%arg7 : memref<128xi32, #tpu.memory_space<vmem>>)
        tpu.yield
      }) : () -> ()
      "tpu.region"() ({
        %run_scoped3A = tpu.sem_alloc : memref<!tpu.dma_semaphore, #tpu.memory_space<semaphore_mem>>
        %dma_start3A_19 = tpu.memref_slice %arg4[%add3A_14] : memref<323584xi32, #tpu.memory_space<hbm>> -> memref<128xi32, #tpu.memory_space<hbm>>
        %dma_start3A_20 = tpu.memref_slice %arg4[%add3A_14] : memref<323584xi32, #tpu.memory_space<hbm>> -> memref<128xi32, #tpu.memory_space<hbm>>
        tpu.enqueue_dma source(%dma_start3A_20 : memref<128xi32, #tpu.memory_space<hbm>>) target(%arg8 : memref<128xi32, #tpu.memory_space<vmem>>) target_semaphore(%run_scoped3A : memref<!tpu.dma_semaphore, #tpu.memory_space<semaphore_mem>>)
        %dma_wait3A_21 = tpu.memref_slice %arg4[%add3A_14] : memref<323584xi32, #tpu.memory_space<hbm>> -> memref<128xi32, #tpu.memory_space<hbm>>
        %dma_wait3A_22 = tpu.memref_slice %arg4[%add3A_14] : memref<323584xi32, #tpu.memory_space<hbm>> -> memref<128xi32, #tpu.memory_space<hbm>>
        tpu.wait_dma2 semaphore(%run_scoped3A : memref<!tpu.dma_semaphore, #tpu.memory_space<semaphore_mem>>) src(%dma_wait3A_22 : memref<128xi32, #tpu.memory_space<hbm>>) dst(%arg8 : memref<128xi32, #tpu.memory_space<vmem>>)
        tpu.yield
      }) : () -> ()
      %dma_start3A = arith.constant 0 : i32
      %dma_start3A_15 = arith.constant 0 : i32
      %dma_start3A_16 = tpu.memref_slice %arg2[%dma_start3A, %dma_start3A_15] : memref<10000x128xf32, #tpu.memory_space<hbm>> -> memref<10000x128xf32, #tpu.memory_space<hbm>>
      tpu.enqueue_indirect_dma source(%dma_start3A_16 : memref<10000x128xf32, #tpu.memory_space<hbm>>) target(%arg9 : memref<128x128xf32, #tpu.memory_space<vmem>>) offsets(%arg7 : memref<128xi32, #tpu.memory_space<vmem>>) semaphore(%arg11 : memref<!tpu.dma_semaphore, #tpu.memory_space<semaphore_mem>>)
      %dma_wait3A = arith.constant 0 : i32
      %dma_wait3A_17 = arith.constant 0 : i32
      %dma_wait3A_18 = tpu.memref_slice %arg2[%dma_wait3A, %dma_wait3A_17] : memref<10000x128xf32, #tpu.memory_space<hbm>> -> memref<10000x128xf32, #tpu.memory_space<hbm>>
      tpu.wait_indirect_dma semaphore(%arg11 : memref<!tpu.dma_semaphore, #tpu.memory_space<semaphore_mem>>) src(%dma_wait3A_18 : memref<10000x128xf32, #tpu.memory_space<hbm>>) dst(%arg9 : memref<128x128xf32, #tpu.memory_space<vmem>>)
      "tpu.region"() ({
        %run_scoped3A = tpu.sem_alloc : memref<!tpu.dma_semaphore, #tpu.memory_space<semaphore_mem>>
        %dma_start3A_19 = arith.constant 0 : i32
        %dma_start3A_20 = arith.constant 0 : i32
        %dma_start3A_21 = tpu.memref_slice %arg10[%dma_start3A_19, %dma_start3A_20] : memref<10112x128xf32, #tpu.memory_space<vmem_shared>> -> memref<10112x128xf32, #tpu.memory_space<vmem_shared>>
        tpu.enqueue_indirect_dma source(%arg9 : memref<128x128xf32, #tpu.memory_space<vmem>>) target(%dma_start3A_21 : memref<10112x128xf32, #tpu.memory_space<vmem_shared>>) offsets(%arg8 : memref<128xi32, #tpu.memory_space<vmem>>) semaphore(%run_scoped3A : memref<!tpu.dma_semaphore, #tpu.memory_space<semaphore_mem>>) {add = true}
        %dma_wait3A_22 = arith.constant 0 : i32
        %dma_wait3A_23 = arith.constant 0 : i32
        %dma_wait3A_24 = tpu.memref_slice %arg10[%dma_wait3A_22, %dma_wait3A_23] : memref<10112x128xf32, #tpu.memory_space<vmem_shared>> -> memref<10112x128xf32, #tpu.memory_space<vmem_shared>>
        tpu.wait_indirect_dma semaphore(%run_scoped3A : memref<!tpu.dma_semaphore, #tpu.memory_space<semaphore_mem>>) src(%arg9 : memref<128x128xf32, #tpu.memory_space<vmem>>) dst(%dma_wait3A_24 : memref<10112x128xf32, #tpu.memory_space<vmem_shared>>)
        tpu.yield
      }) : () -> ()
    }
    %scan3A_9 = arith.constant 79 : i32
    %barrier3A_10 = arith.constant 0 : index
    tpu.barrier barrier_id(%barrier3A_10)
    "tpu.region"() ({
      %run_scoped3A = tpu.sem_alloc : memref<!tpu.dma_semaphore, #tpu.memory_space<semaphore_mem>>
      %dma_start3A = arith.constant 0 : i32
      %dma_start3A_11 = tpu.memref_slice %arg6[%arg0, %mul3A_2, %dma_start3A] : memref<2x10112x128xf32, #tpu.memory_space<hbm>> -> memref<1x632x128xf32, #tpu.memory_space<hbm>>
      %dma_start3A_12 = tpu.memref_squeeze %dma_start3A_11 : memref<1x632x128xf32, #tpu.memory_space<hbm>> -> memref<632x128xf32, #tpu.memory_space<hbm>>
      %dma_start3A_13 = arith.constant 0 : i32
      %dma_start3A_14 = tpu.memref_slice %arg10[%mul3A_2, %dma_start3A_13] : memref<10112x128xf32, #tpu.memory_space<vmem_shared>> -> memref<632x128xf32, #tpu.memory_space<vmem_shared>>
      tpu.enqueue_dma source(%dma_start3A_14 : memref<632x128xf32, #tpu.memory_space<vmem_shared>>) target(%dma_start3A_12 : memref<632x128xf32, #tpu.memory_space<hbm>>) target_semaphore(%run_scoped3A : memref<!tpu.dma_semaphore, #tpu.memory_space<semaphore_mem>>)
      %dma_wait3A = arith.constant 0 : i32
      %dma_wait3A_15 = tpu.memref_slice %arg6[%arg0, %mul3A_2, %dma_wait3A] : memref<2x10112x128xf32, #tpu.memory_space<hbm>> -> memref<1x632x128xf32, #tpu.memory_space<hbm>>
      %dma_wait3A_16 = tpu.memref_squeeze %dma_wait3A_15 : memref<1x632x128xf32, #tpu.memory_space<hbm>> -> memref<632x128xf32, #tpu.memory_space<hbm>>
      %dma_wait3A_17 = arith.constant 0 : i32
      %dma_wait3A_18 = tpu.memref_slice %arg10[%mul3A_2, %dma_wait3A_17] : memref<10112x128xf32, #tpu.memory_space<vmem_shared>> -> memref<632x128xf32, #tpu.memory_space<vmem_shared>>
      tpu.wait_dma2 semaphore(%run_scoped3A : memref<!tpu.dma_semaphore, #tpu.memory_space<semaphore_mem>>) src(%dma_wait3A_18 : memref<632x128xf32, #tpu.memory_space<vmem_shared>>) dst(%dma_wait3A_16 : memref<632x128xf32, #tpu.memory_space<hbm>>)
      tpu.yield
    }) : () -> ()
    return
  }
}

module attributes {stable_mosaic.version = 14 : i64} {
  func.func @_tc1_body(%arg0: i32, %arg1: memref<2000x128xf32, #tpu.memory_space<vmem>>, %arg2: memref<2x2000x16xf32, #tpu.memory_space<vmem>>, %arg3: memref<128x128xf32, #tpu.memory_space<vmem>>, %arg4: memref<2000x128xf32, #tpu.memory_space<vmem>>, %arg5: memref<2000x1xf32, #tpu.memory_space<vmem>>) attributes {dimension_semantics = [#tpu.dimension_semantics<arbitrary>], iteration_bounds = array<i64: 5>, scalar_prefetch = 0 : i64, scratch_operands = 0 : i64, tpu.core_type = #tpu.core_type<tc>, window_params = [{transform_indices = @transform_0, window_bounds = array<i64: 2000, 128>}, {transform_indices = @transform_1, window_bounds = array<i64: 2, 2000, 16>}, {pipeline_mode = #tpu.pipeline_mode<synchronous>, transform_indices = @transform_2, window_bounds = array<i64: 128, 128>}, {transform_indices = @transform_3, window_bounds = array<i64: 2000, 128>}, {transform_indices = @transform_4, window_bounds = array<i64: 2000, 1>}]} {
    %get3A = arith.constant 0 : index
    %get3A_0 = arith.constant 0 : index
    %get3A_1 = arith.constant 0 : index
    %get3A_2 = vector.load %arg2[%get3A, %get3A_0, %get3A_1] : memref<2x2000x16xf32, #tpu.memory_space<vmem>>, vector<2x2000x16xf32>
    %slice3A = vector.extract_strided_slice %get3A_2 {offsets = [0, 0, 0], sizes = [1, 2000, 1], strides = [1, 1, 1]} : vector<2x2000x16xf32> to vector<1x2000x1xf32>
    %squeeze3A = vector.shape_cast %slice3A : vector<1x2000x1xf32> to vector<2000x1xf32>
    %slice3A_3 = vector.extract_strided_slice %get3A_2 {offsets = [1, 0, 0], sizes = [1, 2000, 1], strides = [1, 1, 1]} : vector<2x2000x16xf32> to vector<1x2000x1xf32>
    %squeeze3A_4 = vector.shape_cast %slice3A_3 : vector<1x2000x1xf32> to vector<2000x1xf32>
    %add3A = arith.addf %squeeze3A, %squeeze3A_4 : vector<2000x1xf32>
    %add3A_5 = arith.constant 1.000000e+00 : f32
    %add3A_6 = vector.broadcast %add3A_5 : f32 to vector<2000x1xf32>
    %add3A_7 = arith.addf %add3A, %add3A_6 : vector<2000x1xf32>
    %rsqrt3A = math.rsqrt %add3A_7 : vector<2000x1xf32>
    %get3A_8 = arith.constant 0 : index
    %get3A_9 = arith.constant 0 : index
    %get3A_10 = vector.load %arg1[%get3A_8, %get3A_9] : memref<2000x128xf32, #tpu.memory_space<vmem>>, vector<2000x128xf32>
    %get3A_11 = arith.constant 0 : index
    %get3A_12 = arith.constant 0 : index
    %get3A_13 = vector.load %arg3[%get3A_11, %get3A_12] : memref<128x128xf32, #tpu.memory_space<vmem>>, vector<128x128xf32>
    %dot_general3A = arith.constant dense<0.000000e+00> : vector<2000x128xf32>
    %dot_general3A_14 = tpu.matmul %get3A_10, %get3A_13, %dot_general3A {dimension_numbers = #tpu.dot_dimension_numbers<[1], [0], [0], [1], [0, 0, 1, 1], [], []>, transpose_lhs_hint = false} : vector<2000x128xf32>, vector<128x128xf32>, vector<2000x128xf32> -> vector<2000x128xf32>
    %mul3A = vector.broadcast %rsqrt3A : vector<2000x1xf32> to vector<2000x128xf32>
    %mul3A_15 = arith.mulf %dot_general3A_14, %mul3A : vector<2000x128xf32>
    %swap3A = arith.constant 0 : index
    %swap3A_16 = arith.constant 0 : index
    %swap3A_17 = vector.load %arg4[%swap3A, %swap3A_16] : memref<2000x128xf32, #tpu.memory_space<vmem>>, vector<2000x128xf32>
    tpu.vector_store %arg4[%swap3A, %swap3A_16], %mul3A_15 {strides = array<i32>} : memref<2000x128xf32, #tpu.memory_space<vmem>>, vector<2000x128xf32>,
    %swap3A_18 = arith.constant 0 : index
    %swap3A_19 = arith.constant 0 : index
    %swap3A_20 = vector.load %arg5[%swap3A_18, %swap3A_19] : memref<2000x1xf32, #tpu.memory_space<vmem>>, vector<2000x1xf32>
    tpu.vector_store %arg5[%swap3A_18, %swap3A_19], %rsqrt3A {strides = array<i32>} : memref<2000x1xf32, #tpu.memory_space<vmem>>, vector<2000x1xf32>,
    return
  }
  func.func @transform_0(%arg0: i32) -> (i32, i32) {
    %c0_i32 = arith.constant 0 : i32
    %c0_i32_0 = arith.constant 0 : i32
    return %arg0, %c0_i32 : i32, i32
  }
  func.func @transform_1(%arg0: i32) -> (i32, i32, i32) {
    %c0_i32 = arith.constant 0 : i32
    %c0_i32_0 = arith.constant 0 : i32
    %c0_i32_1 = arith.constant 0 : i32
    return %c0_i32, %arg0, %c0_i32_0 : i32, i32, i32
  }
  func.func @transform_2(%arg0: i32) -> (i32, i32) {
    %c0_i32 = arith.constant 0 : i32
    %c0_i32_0 = arith.constant 0 : i32
    %c0_i32_1 = arith.constant 0 : i32
    return %c0_i32, %c0_i32_0 : i32, i32
  }
  func.func @transform_3(%arg0: i32) -> (i32, i32) {
    %c0_i32 = arith.constant 0 : i32
    %c0_i32_0 = arith.constant 0 : i32
    return %arg0, %c0_i32 : i32, i32
  }
  func.func @transform_4(%arg0: i32) -> (i32, i32) {
    %c0_i32 = arith.constant 0 : i32
    %c0_i32_0 = arith.constant 0 : i32
    return %arg0, %c0_i32 : i32, i32
  }
}

module attributes {stable_mosaic.version = 14 : i64} {
  func.func @_tc2_body(%arg0: i32, %arg1: memref<2000x128xf32, #tpu.memory_space<vmem>>, %arg2: memref<2x2000x128xf32, #tpu.memory_space<vmem>>, %arg3: memref<2000x1xf32, #tpu.memory_space<vmem>>, %arg4: memref<1x128xf32, #tpu.memory_space<vmem>>, %arg5: memref<128x128xf32, #tpu.memory_space<vmem>>, %arg6: memref<2000x128xf32, #tpu.memory_space<vmem>>) attributes {dimension_semantics = [#tpu.dimension_semantics<arbitrary>], iteration_bounds = array<i64: 5>, scalar_prefetch = 0 : i64, scratch_operands = 0 : i64, tpu.core_type = #tpu.core_type<tc>, window_params = [{transform_indices = @transform_0, window_bounds = array<i64: 2000, 128>}, {transform_indices = @transform_1, window_bounds = array<i64: 2, 2000, 128>}, {transform_indices = @transform_2, window_bounds = array<i64: 2000, 1>}, {pipeline_mode = #tpu.pipeline_mode<synchronous>, transform_indices = @transform_3, window_bounds = array<i64: 1, 128>}, {pipeline_mode = #tpu.pipeline_mode<synchronous>, transform_indices = @transform_4, window_bounds = array<i64: 128, 128>}, {transform_indices = @transform_5, window_bounds = array<i64: 2000, 128>}]} {
    %get3A = arith.constant 0 : index
    %get3A_0 = arith.constant 0 : index
    %get3A_1 = arith.constant 0 : index
    %get3A_2 = vector.load %arg2[%get3A, %get3A_0, %get3A_1] : memref<2x2000x128xf32, #tpu.memory_space<vmem>>, vector<2x2000x128xf32>
    %get3A_3 = arith.constant 0 : index
    %get3A_4 = arith.constant 0 : index
    %get3A_5 = vector.load %arg3[%get3A_3, %get3A_4] : memref<2000x1xf32, #tpu.memory_space<vmem>>, vector<2000x1xf32>
    %slice3A = vector.extract_strided_slice %get3A_2 {offsets = [0, 0, 0], sizes = [1, 2000, 128], strides = [1, 1, 1]} : vector<2x2000x128xf32> to vector<1x2000x128xf32>
    %squeeze3A = vector.shape_cast %slice3A : vector<1x2000x128xf32> to vector<2000x128xf32>
    %slice3A_6 = vector.extract_strided_slice %get3A_2 {offsets = [1, 0, 0], sizes = [1, 2000, 128], strides = [1, 1, 1]} : vector<2x2000x128xf32> to vector<1x2000x128xf32>
    %squeeze3A_7 = vector.shape_cast %slice3A_6 : vector<1x2000x128xf32> to vector<2000x128xf32>
    %add3A = arith.addf %squeeze3A, %squeeze3A_7 : vector<2000x128xf32>
    %get3A_8 = arith.constant 0 : index
    %get3A_9 = arith.constant 0 : index
    %get3A_10 = vector.load %arg1[%get3A_8, %get3A_9] : memref<2000x128xf32, #tpu.memory_space<vmem>>, vector<2000x128xf32>
    %add3A_11 = arith.addf %add3A, %get3A_10 : vector<2000x128xf32>
    %mul3A = vector.broadcast %get3A_5 : vector<2000x1xf32> to vector<2000x128xf32>
    %mul3A_12 = arith.mulf %mul3A, %add3A_11 : vector<2000x128xf32>
    %get3A_13 = arith.constant 0 : index
    %get3A_14 = arith.constant 0 : index
    %get3A_15 = vector.load %arg4[%get3A_13, %get3A_14] : memref<1x128xf32, #tpu.memory_space<vmem>>, vector<1x128xf32>
    %add3A_16 = vector.broadcast %get3A_15 : vector<1x128xf32> to vector<2000x128xf32>
    %add3A_17 = arith.addf %mul3A_12, %add3A_16 : vector<2000x128xf32>
    %max3A = arith.constant 0.000000e+00 : f32
    %max3A_18 = vector.broadcast %max3A : f32 to vector<2000x128xf32>
    %max3A_19 = arith.maximumf %add3A_17, %max3A_18 : vector<2000x128xf32>
    %get3A_20 = arith.constant 0 : index
    %get3A_21 = arith.constant 0 : index
    %get3A_22 = vector.load %arg5[%get3A_20, %get3A_21] : memref<128x128xf32, #tpu.memory_space<vmem>>, vector<128x128xf32>
    %dot_general3A = arith.constant dense<0.000000e+00> : vector<2000x128xf32>
    %dot_general3A_23 = tpu.matmul %max3A_19, %get3A_22, %dot_general3A {dimension_numbers = #tpu.dot_dimension_numbers<[1], [0], [0], [1], [0, 0, 1, 1], [], []>, transpose_lhs_hint = false} : vector<2000x128xf32>, vector<128x128xf32>, vector<2000x128xf32> -> vector<2000x128xf32>
    %mul3A_24 = vector.broadcast %get3A_5 : vector<2000x1xf32> to vector<2000x128xf32>
    %mul3A_25 = arith.mulf %dot_general3A_23, %mul3A_24 : vector<2000x128xf32>
    %swap3A = arith.constant 0 : index
    %swap3A_26 = arith.constant 0 : index
    %swap3A_27 = vector.load %arg6[%swap3A, %swap3A_26] : memref<2000x128xf32, #tpu.memory_space<vmem>>, vector<2000x128xf32>
    tpu.vector_store %arg6[%swap3A, %swap3A_26], %mul3A_25 {strides = array<i32>} : memref<2000x128xf32, #tpu.memory_space<vmem>>, vector<2000x128xf32>,
    return
  }
  func.func @transform_0(%arg0: i32) -> (i32, i32) {
    %c0_i32 = arith.constant 0 : i32
    %c0_i32_0 = arith.constant 0 : i32
    return %arg0, %c0_i32 : i32, i32
  }
  func.func @transform_1(%arg0: i32) -> (i32, i32, i32) {
    %c0_i32 = arith.constant 0 : i32
    %c0_i32_0 = arith.constant 0 : i32
    %c0_i32_1 = arith.constant 0 : i32
    return %c0_i32, %arg0, %c0_i32_0 : i32, i32, i32
  }
  func.func @transform_2(%arg0: i32) -> (i32, i32) {
    %c0_i32 = arith.constant 0 : i32
    %c0_i32_0 = arith.constant 0 : i32
    return %arg0, %c0_i32 : i32, i32
  }
  func.func @transform_3(%arg0: i32) -> (i32, i32) {
    %c0_i32 = arith.constant 0 : i32
    %c0_i32_0 = arith.constant 0 : i32
    %c0_i32_1 = arith.constant 0 : i32
    return %c0_i32, %c0_i32_0 : i32, i32
  }
  func.func @transform_4(%arg0: i32) -> (i32, i32) {
    %c0_i32 = arith.constant 0 : i32
    %c0_i32_0 = arith.constant 0 : i32
    %c0_i32_1 = arith.constant 0 : i32
    return %c0_i32, %c0_i32_0 : i32, i32
  }
  func.func @transform_5(%arg0: i32) -> (i32, i32) {
    %c0_i32 = arith.constant 0 : i32
    %c0_i32_0 = arith.constant 0 : i32
    return %arg0, %c0_i32 : i32, i32
  }
}

module attributes {stable_mosaic.version = 14 : i64} {
  func.func @_tc3_body(%arg0: i32, %arg1: memref<2000x128xf32, #tpu.memory_space<vmem>>, %arg2: memref<2x2000x128xf32, #tpu.memory_space<vmem>>, %arg3: memref<2000x1xf32, #tpu.memory_space<vmem>>, %arg4: memref<1x128xf32, #tpu.memory_space<vmem>>, %arg5: memref<128x40xf32, #tpu.memory_space<vmem>>, %arg6: memref<1x40xf32, #tpu.memory_space<vmem>>, %arg7: memref<2000x40xf32, #tpu.memory_space<vmem>>) attributes {dimension_semantics = [#tpu.dimension_semantics<arbitrary>], iteration_bounds = array<i64: 5>, scalar_prefetch = 0 : i64, scratch_operands = 0 : i64, tpu.core_type = #tpu.core_type<tc>, window_params = [{transform_indices = @transform_0, window_bounds = array<i64: 2000, 128>}, {transform_indices = @transform_1, window_bounds = array<i64: 2, 2000, 128>}, {transform_indices = @transform_2, window_bounds = array<i64: 2000, 1>}, {pipeline_mode = #tpu.pipeline_mode<synchronous>, transform_indices = @transform_3, window_bounds = array<i64: 1, 128>}, {pipeline_mode = #tpu.pipeline_mode<synchronous>, transform_indices = @transform_4, window_bounds = array<i64: 128, 40>}, {pipeline_mode = #tpu.pipeline_mode<synchronous>, transform_indices = @transform_5, window_bounds = array<i64: 1, 40>}, {transform_indices = @transform_6, window_bounds = array<i64: 2000, 40>}]} {
    %get3A = arith.constant 0 : index
    %get3A_0 = arith.constant 0 : index
    %get3A_1 = arith.constant 0 : index
    %get3A_2 = vector.load %arg2[%get3A, %get3A_0, %get3A_1] : memref<2x2000x128xf32, #tpu.memory_space<vmem>>, vector<2x2000x128xf32>
    %get3A_3 = arith.constant 0 : index
    %get3A_4 = arith.constant 0 : index
    %get3A_5 = vector.load %arg3[%get3A_3, %get3A_4] : memref<2000x1xf32, #tpu.memory_space<vmem>>, vector<2000x1xf32>
    %slice3A = vector.extract_strided_slice %get3A_2 {offsets = [0, 0, 0], sizes = [1, 2000, 128], strides = [1, 1, 1]} : vector<2x2000x128xf32> to vector<1x2000x128xf32>
    %squeeze3A = vector.shape_cast %slice3A : vector<1x2000x128xf32> to vector<2000x128xf32>
    %slice3A_6 = vector.extract_strided_slice %get3A_2 {offsets = [1, 0, 0], sizes = [1, 2000, 128], strides = [1, 1, 1]} : vector<2x2000x128xf32> to vector<1x2000x128xf32>
    %squeeze3A_7 = vector.shape_cast %slice3A_6 : vector<1x2000x128xf32> to vector<2000x128xf32>
    %add3A = arith.addf %squeeze3A, %squeeze3A_7 : vector<2000x128xf32>
    %get3A_8 = arith.constant 0 : index
    %get3A_9 = arith.constant 0 : index
    %get3A_10 = vector.load %arg1[%get3A_8, %get3A_9] : memref<2000x128xf32, #tpu.memory_space<vmem>>, vector<2000x128xf32>
    %add3A_11 = arith.addf %add3A, %get3A_10 : vector<2000x128xf32>
    %mul3A = vector.broadcast %get3A_5 : vector<2000x1xf32> to vector<2000x128xf32>
    %mul3A_12 = arith.mulf %mul3A, %add3A_11 : vector<2000x128xf32>
    %get3A_13 = arith.constant 0 : index
    %get3A_14 = arith.constant 0 : index
    %get3A_15 = vector.load %arg4[%get3A_13, %get3A_14] : memref<1x128xf32, #tpu.memory_space<vmem>>, vector<1x128xf32>
    %add3A_16 = vector.broadcast %get3A_15 : vector<1x128xf32> to vector<2000x128xf32>
    %add3A_17 = arith.addf %mul3A_12, %add3A_16 : vector<2000x128xf32>
    %max3A = arith.constant 0.000000e+00 : f32
    %max3A_18 = vector.broadcast %max3A : f32 to vector<2000x128xf32>
    %max3A_19 = arith.maximumf %add3A_17, %max3A_18 : vector<2000x128xf32>
    %get3A_20 = arith.constant 0 : index
    %get3A_21 = arith.constant 0 : index
    %get3A_22 = vector.load %arg5[%get3A_20, %get3A_21] : memref<128x40xf32, #tpu.memory_space<vmem>>, vector<128x40xf32>
    %dot_general3A = arith.constant dense<0.000000e+00> : vector<2000x40xf32>
    %dot_general3A_23 = tpu.matmul %max3A_19, %get3A_22, %dot_general3A {dimension_numbers = #tpu.dot_dimension_numbers<[1], [0], [0], [1], [0, 0, 1, 1], [], []>, transpose_lhs_hint = false} : vector<2000x128xf32>, vector<128x40xf32>, vector<2000x40xf32> -> vector<2000x40xf32>
    %get3A_24 = arith.constant 0 : index
    %get3A_25 = arith.constant 0 : index
    %get3A_26 = vector.load %arg6[%get3A_24, %get3A_25] : memref<1x40xf32, #tpu.memory_space<vmem>>, vector<1x40xf32>
    %add3A_27 = vector.broadcast %get3A_26 : vector<1x40xf32> to vector<2000x40xf32>
    %add3A_28 = arith.addf %dot_general3A_23, %add3A_27 : vector<2000x40xf32>
    %swap3A = arith.constant 0 : index
    %swap3A_29 = arith.constant 0 : index
    %swap3A_30 = vector.load %arg7[%swap3A, %swap3A_29] : memref<2000x40xf32, #tpu.memory_space<vmem>>, vector<2000x40xf32>
    tpu.vector_store %arg7[%swap3A, %swap3A_29], %add3A_28 {strides = array<i32>} : memref<2000x40xf32, #tpu.memory_space<vmem>>, vector<2000x40xf32>,
    return
  }
  func.func @transform_0(%arg0: i32) -> (i32, i32) {
    %c0_i32 = arith.constant 0 : i32
    %c0_i32_0 = arith.constant 0 : i32
    return %arg0, %c0_i32 : i32, i32
  }
  func.func @transform_1(%arg0: i32) -> (i32, i32, i32) {
    %c0_i32 = arith.constant 0 : i32
    %c0_i32_0 = arith.constant 0 : i32
    %c0_i32_1 = arith.constant 0 : i32
    return %c0_i32, %arg0, %c0_i32_0 : i32, i32, i32
  }
  func.func @transform_2(%arg0: i32) -> (i32, i32) {
    %c0_i32 = arith.constant 0 : i32
    %c0_i32_0 = arith.constant 0 : i32
    return %arg0, %c0_i32 : i32, i32
  }
  func.func @transform_3(%arg0: i32) -> (i32, i32) {
    %c0_i32 = arith.constant 0 : i32
    %c0_i32_0 = arith.constant 0 : i32
    %c0_i32_1 = arith.constant 0 : i32
    return %c0_i32, %c0_i32_0 : i32, i32
  }
  func.func @transform_4(%arg0: i32) -> (i32, i32) {
    %c0_i32 = arith.constant 0 : i32
    %c0_i32_0 = arith.constant 0 : i32
    %c0_i32_1 = arith.constant 0 : i32
    return %c0_i32, %c0_i32_0 : i32, i32
  }
  func.func @transform_5(%arg0: i32) -> (i32, i32) {
    %c0_i32 = arith.constant 0 : i32
    %c0_i32_0 = arith.constant 0 : i32
    %c0_i32_1 = arith.constant 0 : i32
    return %c0_i32, %c0_i32_0 : i32, i32
  }
  func.func @transform_6(%arg0: i32) -> (i32, i32) {
    %c0_i32 = arith.constant 0 : i32
    %c0_i32_0 = arith.constant 0 : i32
    return %arg0, %c0_i32 : i32, i32
  }
}

</mosaic_0001>

<sc_bundles>
// kernel: kernel.11.cloned.1.call-start
scs
__scs_entry_jumppad:
0x0: {  	(pc) =	sbr.rel $0x88, $3  }
0x1: {  	(tag) =	ssettag $0x0;
	lr =	simm.s32 $0x1  }
0x2: {  	[smem:$0x3F99] =	sst lr;
	_ =	strace $0xD0000000  }
0x3: {  	_ = 	snop  }
0x4: {  	_ = 	snop  }
0x5: {  	_ = 	snop  }
0x6: {  	_ = 	snop  }
0x7: {  	_ = 	snop  }
__scs_overlays_trampoline_lowered:
0x8: {  	[smem:$0x3FA8] =	sst s0  }
0x9: {  	[smem:$0x3FA9] =	sst s1  }
0xa: {  	[smem:$0x3FAA] =	sst s2  }
0xb: {  	[smem:$0x3FAB] =	sst s3  }
0xc: {  	[smem:$0x3FAC] =	sst s4  }
0xd: {  	[smem:$0x3FAD] =	sst s5  }
0xe: {  	[smem:$0x3FAE] =	sst s6  }
0xf: {  	[smem:$0x3FAF] =	sst s7  }
0x10: {  	[smem:$0x3FB0] =	sst s8  }
0x11: {  	[smem:$0x3FB1] =	sst s9;
	s0 =	simm.s32 @!p0 $0x0  }
0x12: {  	s1 =	sld [smem:$0x3F97];
	s0 =	simm.s32 @p0 $0x1  }
0x13: {  	[smem:$0x3FB2] =	sst s0;
	s0 =	simm.s32 @!p1 $0x0  }
0x14: {  	s2 =	sld [smem:$0x3F96];
	s0 =	simm.s32 @p1 $0x1  }
0x15: {  	[smem:$0x3FB3] =	sst s0;
	s0 =	simm.s32 @!p2 $0x0  }
0x16: {  	s3 =	sld [smem:$0x3FDB];
	s0 =	simm.s32 @p2 $0x1  }
0x17: {  	s4 =	simm.s32 $0x1BF5;
	[smem:$0x3FB5] =	sst s0  }
0x18: {  	s0 =	sld [smem:$0x3F98];
	_ =	swait.ge [sflag:s4], $0x0  }
0x19: {  	s7 =	sld [smem:$0x3F99]  }
0x1a: {  	s8 =	sadd.s32 $0xFFFFE003, lr  }
0x1b: {  	s9 =	sadd.s32 $0xFFFFFEF7, lr;
	s5 =	simm.s32 $0xFFFFFFFF;
	p2 =	slt.u32 s8, $0xFFFFF086  }
0x1c: {  	p1 =	slt.u32 s9, $0xF7A;
	s5 =	simm.s32 @!p2 $0x0  }
0x1d: {  	s5 =	simm.s32 @p1 $0x1;
	p0 =	seq.s32 s7, s2  }
0x1e: {  	s7 =	smul.u32 @!p0 $0xF7A, s2;
	p2 =	seq.s32 @!p0 s5, $0x0  }
0x1f: {  	s9 =	smul.u32 $0xF7A, s1;
	s8 =	simm.s32 @!p0 $0x1BF5;
	p2 =	por !p2, p0  }
0x20: {  	[sflag:s8] =	ssyncset.s32 @!p0 $0xFFFFF086;
	s6 =	sadd.s32 @!p0 s3, s7;
	s7 =	simm.s32 @!p0 $0x108  }
0x21: {  	s3 =	sadd.s32 s3, s9;
	s6 =	sadd.s32 @!p0 $0x88, s6;
	s7 =	simm.s32 @p2 $0x1082  }
0x22: {  	[simem:s7], [sflag:s8] =	dma.local @!p0 [hbm:s6], $0xF7A  }
0x23: {  	s9 =	sor.u32 $0xD0000000, s2;
	s6 =	simm.s32 $0x108;
	_ =	swait.ge @!p0 [sflag:s8], $0x0  }
0x24: {  	s3 =	sadd.s32 $0x88, s3;
	s6 =	simm.s32 @!p1 $0x1082;
	[sflag:s4] =	ssyncset.s32 $0xFFFFF086  }
0x25: {  	[simem:s6], [sflag:s4] =	dma.local [hbm:s3], $0xF7A  }
0x26: {  	[smem:$0x3F99] =	sst s1;
	(tag) =	ssettag s2;
	_ =	strace s9  }
0x27: {  	s1 =	sld [smem:$0x3FA9]  }
0x28: {  	s2 =	sld [smem:$0x3FAA]  }
0x29: {  	s4 =	sld [smem:$0x3FAC]  }
0x2a: {  	p0 =	seq.s32 s5, $0x0;
	s5 =	sld [smem:$0x3FAD]  }
0x2b: {  	s6 =	sld [smem:$0x3FAE]  }
0x2c: {  	s7 =	sld [smem:$0x3FAF]  }
0x2d: {  	s3 =	simm.s32 $0x108;
	s8 =	sld [smem:$0x3FB0]  }
0x2e: {  	s3 =	simm.s32 @!p0 $0x1082;
	s9 =	sld [smem:$0x3FB1]  }
0x2f: {  	lr =	sadd.s32 s0, s3;
	s0 =	sld [smem:$0x3FA8]  }
0x30: {  	s3 =	sld [smem:$0x3FAB]  }
0x31: {  	[smem:$0x3FB4] =	sst s10  }
0x32: {  	s10 =	sld [smem:$0x3FB2];
	_ =	sdelay $0x3  }
0x33: {  	p0 =	seq.s32 s10, $0x1;
	s10 =	sld [smem:$0x3FB4];
	_ =	sdelay $0x3  }
0x34: {  	[smem:$0x3FB4] =	sst s10  }
0x35: {  	s10 =	sld [smem:$0x3FB3];
	_ =	sdelay $0x3  }
0x36: {  	p1 =	seq.s32 s10, $0x1;
	s10 =	sld [smem:$0x3FB4];
	_ =	sdelay $0x3  }
0x37: {  	[smem:$0x3FB4] =	sst s10  }
0x38: {  	s10 =	sld [smem:$0x3FB5]  }
0x39: {  	_ = 	snop;
	(pc) =	sbr.ind lr, $3  }
0x3a: {  	_ = 	snop  }
0x3b: {  	_ = 	snop  }
0x3c: {  	p2 =	seq.s32 s10, $0x1;
	s10 =	sld [smem:$0x3FB4]  }
0x3d: {  	_ =	shalt  }
0x3e: {  	_ =	shalt  }
0x3f: {  	_ =	shalt  }
0x40: {  	_ =	shalt  }
0x41: {  	_ =	shalt  }
0x42: {  	_ =	shalt  }
0x43: {  	_ =	shalt  }
0x44: {  	_ =	shalt  }
0x45: {  	_ =	shalt  }
0x46: {  	_ =	shalt  }
0x47: {  	_ =	shalt  }
0x48: {  	_ =	shalt  }
0x49: {  	_ =	shalt  }
0x4a: {  	_ =	shalt  }
0x4b: {  	_ =	shalt  }
0x4c: {  	_ =	shalt  }
0x4d: {  	_ =	shalt  }
0x4e: {  	_ =	shalt  }
0x4f: {  	_ =	shalt  }
0x50: {  	_ =	shalt  }
0x51: {  	_ =	shalt  }
0x52: {  	_ =	shalt  }
0x53: {  	_ =	shalt  }
0x54: {  	_ =	shalt  }
0x55: {  	_ =	shalt  }
0x56: {  	_ =	shalt  }
0x57: {  	_ =	shalt  }
0x58: {  	_ =	shalt  }
0x59: {  	_ =	shalt  }
0x5a: {  	_ =	shalt  }
0x5b: {  	_ =	shalt  }
0x5c: {  	_ =	shalt  }
0x5d: {  	_ =	shalt  }
0x5e: {  	_ =	shalt  }
0x5f: {  	_ =	shalt  }
0x60: {  	_ =	shalt  }
0x61: {  	_ =	shalt  }
0x62: {  	_ =	shalt  }
0x63: {  	_ =	shalt  }
0x64: {  	_ =	shalt  }
0x65: {  	_ =	shalt  }
0x66: {  	_ =	shalt  }
0x67: {  	_ =	shalt  }
0x68: {  	_ =	shalt  }
0x69: {  	_ =	shalt  }
0x6a: {  	_ =	shalt  }
0x6b: {  	_ =	shalt  }
0x6c: {  	_ =	shalt  }
0x6d: {  	_ =	shalt  }
0x6e: {  	_ =	shalt  }
0x6f: {  	_ =	shalt  }
0x70: {  	_ =	shalt  }
0x71: {  	_ =	shalt  }
0x72: {  	_ =	shalt  }
0x73: {  	_ =	shalt  }
0x74: {  	_ =	shalt  }
0x75: {  	_ =	shalt  }
0x76: {  	_ =	shalt  }
0x77: {  	_ =	shalt  }
0x78: {  	_ =	shalt  }
0x79: {  	_ =	shalt  }
0x7a: {  	_ =	shalt  }
0x7b: {  	_ =	shalt  }
0x7c: {  	_ =	shalt  }
0x7d: {  	_ =	shalt  }
0x7e: {  	_ =	shalt  }
0x7f: {  	_ =	shalt  }
0x80: {  	_ =	shalt  }
0x81: {  	_ =	shalt  }
0x82: {  	_ =	shalt  }
0x83: {  	_ =	shalt  }
0x84: {  	_ =	shalt  }
0x85: {  	_ =	shalt  }
0x86: {  	_ =	shalt  }
0x87: {  	_ =	shalt  }
.Lfunc_end0:
.L_simem_size_0:
called_computation.1_lowered:
.L_overlay_start_0:
0x88: {  	s2 =	sld [smem:$0x3FD9]  }
0x89: {  	s3 =	sld [smem:$0x3FFE];
	_ =	sdelay $0x1  }
0x8a: {  	s1 =	srdreg.scid  }
0x8b: {  	s0 =	sand.u32 $0x1, s1  }
0x8c: {  	s17 =	sshll.u32 s0, $0xA;
	s2 =	sadd.s32 s3, s2  }
0x8d: {  	s2 =	sadd.s32 s2, s17  }
0x8e: {  	[smem:$0x3FC0] =	sst s2  }
0x8f: {  	_ = 	snop  }
0x90: {  	s2 =	sld [smem:$0x3FD0];
	(tm) =	ssettm $0x1  }
0x91: {  	s18 =	sld [smem:$0x3FFB];
	_ =	sdelay $0x3  }
0x92: {  	_ =	strace s18  }
0x93: {  	s3 =	sld [smem:$0x3FFC];
	_ =	sdelay $0x3  }
0x94: {  	_ =	strace s3  }
0x95: {  	s3 =	sld [smem:$0x3FFD];
	_ =	sdelay $0x3  }
0x96: {  	_ =	strace s3  }
0x97: {  	_ =	strace $0x8FFFFFFF  }
0x98: {  	s19 =	sld [smem:$0x3FDB];
	_ =	sdelay $0x1  }
0x99: {  	s4 =	simm.s32 $_scs_section_size  }
0x9a: {  	s5 =	simm.s32 $_size__tile_overlayer_lowered;
	s6 =	simm.s32 $_tile_overlayer_lowered  }
0x9b: {  	s22 =	simm.s32 $0x1BFF;
	s21 =	sshll.u32 s6, $0x1;
	s3 =	sadd.s32 s4, s19  }
0x9c: {  	s7 =	simm.s32 $0x0;
	s20 =	sshll.u32 s5, $0x1;
	s5 =	sadd.s32 s21, s3  }
0x9d: {  	[timem:s7], [sflag:s22] =	dma.local [hbm:s5], s20  }
0x9e: {  	_ =	swait.ge [sflag:s22], s20  }
0x9f: {  	s4 =	ssub.s32 $0x0, s20;
	[sflag:s22] =	ssyncset.done $0x0  }
0xa0: {  	[sflag:s22] =	ssyncadd.s32 s4;
	_ =	sdelay $0x1  }
0xa1: {  	s23 =	simm.s32 $0x1B8B  }
0xa2: {  	_ =	swait.ge [sflag:s23], $0x1  }
0xa3: {  	[sflag:s23] =	ssyncset.done $0x0  }
0xa4: {  	s25 =	simm.s32 $0x1B8E;
	s24 =	sld [smem:$0x3FFE];
	[sflag:s23] =	ssyncadd.s32 $0xFFFFFFFF  }
0xa5: {  	s26 =	simm.s32 $execute0_lowered;
	[smem:$0x3FD2] =	sst s25  }
0xa6: {  	s5 =	sshll.u32 s26, $0x1;
	_ =	strace $0x80000049;
	[dreg:$0x1] =	wrdreg $0xFFFFFFFF  }
0xa7: {  	s28 =	simm.s32 $_size_execute0_lowered;
	s3 =	sadd.s32 s3, s5;
	[dreg:$0x0] =	wrdreg $0x0  }
0xa8: {  	s5 =	sshll.u32 s28, $0x1;
	[dreg:$0x2] =	wrdreg s3  }
0xa9: {  	[dreg:$0x3] =	wrdreg s5  }
0xaa: {  	[dreg:$0x4] =	wrdreg $0xC0  }
0xab: {  	_ =	task [dreg:s7], $0x5FFFF  }
0xac: {  	[dreg:$0x1] =	wrdreg $0xFFFFFFFF  }
0xad: {  	[dreg:$0x0] =	wrdreg $0x60  }
0xae: {  	[dreg:$0x2] =	wrdreg s24  }
0xaf: {  	[dreg:$0x3] =	wrdreg s2  }
0xb0: {  	[dreg:$0x4] =	wrdreg $0x41000  }
0xb1: {  	[dreg:$0x5] =	wrdreg $0x9  }
0xb2: {  	_ =	task.clear_ibuf [dreg:s7], $0x6FFFF;
	_ =	strace $0x90000049  }
0xb3: {  	s29 =	simm.s32 $0x9;
	_ =	strace $0x8000004B  }
0xb4: {  	_ =	swait.ge [sflag:s29], $0x1  }
0xb5: {  	[sflag:s29] =	ssyncadd.s32 $0xFFFFFFFF  }
0xb6: {  	_ =	strace $0x9000004B  }
0xb7: {  	_ =	sfence  }
0xb8: {  	s30 =	sld [smem:$0x0];
	_ =	sdelay $0x2  }
0xb9: {  	s31 =	sshll.u32 s1, $0xD;
	s1 =	sshrl.u32 s1, $0x2  }
0xba: {  	s3 =	sand.u32 $0x4000, s31;
	s1 =	sadd.s32 s1, s30  }
0xbb: {  	s0 =	sor.u32 s3, s0;
	s1 =	sshll.u32 s1, $0x11  }
0xbc: {  	s0 =	sor.u32 s1, s0  }
0xbd: {  	s0 =	sadd.s32 $0x8F2B, s0  }
0xbe: {  	[sflag:s0] =	ssyncadd.remote.s32 $0x1  }
0xbf: {  	_ =	sfence.sel $0xFFFF  }
0xc0: {  	[dreg:$0x0] =	wrdreg $0xFFFFFFFF;
	(pc) =	sbr.abs _section_cstart, $3  }
0xc1: {  	[dreg:$0x1] =	wrdreg $0xFFFFFFFF  }
0xc2: {  	_ =	task.clear_ibuf [dreg:s7], $0x2FFFF;
	_ =	strace $0x9FFFFFFF  }
0xc3: {  	(tm) =	ssettm $0x7FFFFFFF  }
tec
execute0_lowered:
.L_overlay_start_1:
0x0: {  	(tag) =	ssettag $0x1  }
0x1: {  	s6 =	rddreg [dreg:$0x0]  }
0x2: {  	s8 =	rddreg [dreg:$0x1]  }
0x3: {  	s0 =	stileid.u32;
	s1 =	srdreg.scid  }
0x4: {  	s2 =	rddreg [dreg:$0x2];
	s3 =	simm.s32 $0x0;
	s9 =	smul.u32 $0x9E0, s0  }
0x5: {  	s7 =	sand.u32 $0x1, s1;
	s1 =	rddreg [dreg:$0x3];
	s10 =	smul.u32 $0x13C00, s0  }
0x6: {  	s16 =	simm.s32 $0x0;
	[smem:$0x7FF] =	sst s3;
	s13 =	smul.u32 $0x4F000, s0  }
0x7: {  	s4 =	sadd.s32 $0x2800, s6;
	s14 =	sshll.u32 s0, $0x6;
	s5 =	smul.u32 $0x13C000, s7  }
0x8: {  	_ =	strace $0x8000004A;
	s12 =	ssub.s32 $0x2, s7;
	s15 =	smul.u32 $0x4F0, s7  }
0x9: {  	s11 =	sadd.s32 s9, s6;
	s30 =	sshrl.u32 s12, $0x1;
	s13 =	sshrl.u32 s13, $0x2  }
0xa: {  	s9 =	sadd.s32 s9, s8;
	s5 =	sadd.s32 s10, s5;
	s12 =	ssub.s32 s12, s30  }
0xb: {  	s13 =	sadd.s32 s13, s2;
	s31 =	sadd.s32 s15, s11;
	s9 =	sadd.s32 s15, s9  }
0xc: {  	s15 =	simm.s32 $0x1;
	s10 =	sshrl.u32 s5, $0x3;
	s5 =	sadd.s32 $0x29A00, s6  }
0xd: {  	s8 =	smax.u32 s12, $0x1;
	s11 =	sshrl.u32 s13, $0x3;
	s12 =	simm.s32 $0x2  }
0xe: {  	s13 =	simm.s32 $0x80;
	s10 =	sadd.s32 s10, s6;
	s6 =	sor.u32 $0x1C02, s14  }
0xf: {  	s14 =	simm.s32 $0x100;
	s7 =	sadd.s32 $0x5E600, s10;
	s10 =	sadd.s32 $0x54800, s31  }
.LBB2_1:
0x10: {  	[spmem:s11], [sflag:s6] =	dma.local [hbm:s5], $0x2780  }
0x11: {  	_ =	swait.ge [sflag:s12], $0x2780  }
0x12: {  	[sflag:s12] =	ssyncset.done $0x0  }
0x13: {  	[sflag:s12] =	ssyncadd.s32 $0xFFFFD880  }
0x14: {  	s17 =	sadd.s32 $0x0, s10;
	[bflag:$0x0] =	sbarrier.arrive $0xFFFF  }
0x15: {  	[tilespmem:s3], [sflag:$0x2] =	stream.linear.gather [hbm4b:s17+s3], $0x80, $0x38;
	[tilespmem:$0x17D00] =	vst v63  }
0x16: {  	_ =	swait.ge [sflag:s12], $0x80  }
0x17: {  	[sflag:s12] =	ssyncset.done $0x0  }
0x18: {  	s31 =	sadd.s32 $0x0, s9;
	[sflag:s12] =	ssyncadd.s32 $0xFFFFFF80  }
0x19: {  	[tilespmem:s13], [sflag:$0x2] =	stream.linear.gather [hbm4b:s31+s3], $0x80, $0x38;
	[tilespmem:$0x17D00] =	vst v63  }
0x1a: {  	_ =	swait.ge [sflag:s12], $0x80  }
0x1b: {  	[sflag:s12] =	ssyncset.done $0x0  }
0x1c: {  	[sflag:s12] =	ssyncadd.s32 $0xFFFFFF80  }
0x1d: {  	[tilespmem:s14], [sflag:$0x1] =	stream.indirect.gather [hbm4b:s4+s13], $0x80, s3, s13, $0xb8;
	[tilespmem:$0x17D00] =	vst v63  }
0x1e: {  	_ =	swait.ge [sflag:s15], $0x4000  }
0x1f: {  	[sflag:s15] =	ssyncset.done $0x0  }
0x20: {  	[sflag:s15] =	ssyncadd.s32 $0xFFFFC000  }
0x21: {  	[spmem:s2] =	stream.indirect.scatter.add.f32 [tilespmem:s14], [sflag:$0x2], $0x80, s13, s13, $0xb8;
	[tilespmem:$0x17D00] =	vst v63  }
0x22: {  	_ =	swait.ge [sflag:s12], $0x4000  }
0x23: {  	s18 =	simm.s32 $0x20;
	s17 =	simm.s32 $0x10;
	[sflag:s12] =	ssyncset.done $0x0  }
.LBB2_2:
0x24: {  	s19 =	sadd.s32 s17, s10  }
0x25: {  	[sflag:s12] =	ssyncadd.s32 $0xFFFFC000;
	s20 =	smov.u32 s18;
	s21 =	sadd.s32 $0x10, s18  }
0x26: {  	[tilespmem:s3], [sflag:$0x2] =	stream.linear.gather [hbm4b:s19+s3], $0x80, $0x38;
	[tilespmem:$0x17D00] =	vst v63  }
0x27: {  	p0 =	sne.s32 s18, $0x4E0;
	_ =	swait.ge [sflag:s12], $0x80  }
0x28: {  	[sflag:s12] =	ssyncset.done $0x0  }
0x29: {  	s18 =	sadd.s32 s17, s9;
	s17 =	smov.u32 s20;
	[sflag:s12] =	ssyncadd.s32 $0xFFFFFF80  }
0x2a: {  	[tilespmem:s13], [sflag:$0x2] =	stream.linear.gather [hbm4b:s18+s3], $0x80, $0x38;
	[tilespmem:$0x17D00] =	vst v63  }
0x2b: {  	_ =	swait.ge [sflag:s12], $0x80  }
0x2c: {  	[sflag:s12] =	ssyncset.done $0x0  }
0x2d: {  	[sflag:s12] =	ssyncadd.s32 $0xFFFFFF80  }
0x2e: {  	[tilespmem:s14], [sflag:$0x1] =	stream.indirect.gather [hbm4b:s4+s13], $0x80, s3, s13, $0xb8;
	[tilespmem:$0x17D00] =	vst v63  }
0x2f: {  	_ =	swait.ge [sflag:s15], $0x4000  }
.Ltmp0:
0x30: {  	[sflag:s15] =	ssyncset.done $0x0;
	(pc) =	sbr.rel @p0 .LBB2_2-.Ltmp0, $4  }
0x31: {  	[sflag:s15] =	ssyncadd.s32 $0xFFFFC000  }
0x32: {  	[spmem:s2] =	stream.indirect.scatter.add.f32 [tilespmem:s14], [sflag:$0x2], $0x80, s13, s13, $0xb8;
	[tilespmem:$0x17D00] =	vst v63  }
0x33: {  	_ =	swait.ge [sflag:s12], $0x4000  }
0x34: {  	s18 =	smov.u32 s21;
	[sflag:s12] =	ssyncset.done $0x0  }
0x35: {  	s18 =	sadd.s32 s17, s10;
	[sflag:s12] =	ssyncadd.s32 $0xFFFFC000  }
0x36: {  	[tilespmem:s3], [sflag:$0x2] =	stream.linear.gather [hbm4b:s18+s3], $0x80, $0x38;
	[tilespmem:$0x17D00] =	vst v63  }
0x37: {  	_ =	swait.ge [sflag:s12], $0x80  }
0x38: {  	[sflag:s12] =	ssyncset.done $0x0  }
0x39: {  	s31 =	sadd.s32 s17, s9;
	[sflag:s12] =	ssyncadd.s32 $0xFFFFFF80  }
0x3a: {  	[tilespmem:s13], [sflag:$0x2] =	stream.linear.gather [hbm4b:s31+s3], $0x80, $0x38;
	[tilespmem:$0x17D00] =	vst v63  }
0x3b: {  	_ =	swait.ge [sflag:s12], $0x80  }
0x3c: {  	[sflag:s12] =	ssyncset.done $0x0  }
0x3d: {  	[sflag:s12] =	ssyncadd.s32 $0xFFFFFF80  }
0x3e: {  	[tilespmem:s14], [sflag:$0x1] =	stream.indirect.gather [hbm4b:s4+s13], $0x80, s3, s13, $0xb8;
	[tilespmem:$0x17D00] =	vst v63  }
0x3f: {  	_ =	swait.ge [sflag:s15], $0x4000  }
0x40: {  	[sflag:s15] =	ssyncset.done $0x0  }
0x41: {  	[sflag:s15] =	ssyncadd.s32 $0xFFFFC000  }
0x42: {  	[spmem:s2] =	stream.indirect.scatter.add.f32 [tilespmem:s14], [sflag:$0x2], $0x80, s13, s13, $0xb8;
	[tilespmem:$0x17D00] =	vst v63  }
0x43: {  	_ =	swait.ge [sflag:s12], $0x4000  }
0x44: {  	s16 =	sadd.s32 $0x1, s16;
	[sflag:s12] =	ssyncset.done $0x0  }
0x45: {  	p0 =	sne.s32 s16, s8;
	[sflag:s12] =	ssyncadd.s32 $0xFFFFC000  }
.Ltmp1:
0x46: {  	[bflag:$0x0] =	sbarrier.arrive $0xFFFF;
	(pc) =	sbr.rel @p0 .LBB2_1-.Ltmp1, $4  }
0x47: {  	[hbm:s7], [sflag:s6] =	dma.local [spmem:s11], $0x2780  }
0x48: {  	_ =	swait.ge [sflag:s12], $0x2780  }
0x49: {  	[sflag:s12] =	ssyncset.done $0x0  }
0x4a: {  	[sflag:s12] =	ssyncadd.s32 $0xFFFFD880  }
0x4b: {  	_ =	sfence.sel $0x180000  }
0x4c: {  	[bflag:$0x0] =	sbarrier.arrive $0xFFFF  }
0x4d: {  	p0 =	sne.s32 s0, $0x0;
	_ =	strace $0x9000004A  }
0x4e: {  	s0 =	sadd.s32 @!p0 $0x100000, s1;
	[bflag:$0x2] =	sbarrier.arrive $0xFFFF  }
0x4f: {  	[sflag:s0] =	ssyncadd.tile.s32 @!p0 $0x1;
	_ =	shalt  }
.Lfunc_end2:
_tile_overlayer_lowered:
.L_overlay_start_2:
0x50: {  	(tag) =	ssettag $0x2  }
0x51: {  	s0 =	rddreg [dreg:$0x0];
	s2 =	stileid.u32  }
0x52: {  	s1 =	rddreg [dreg:$0x1];
	p0 =	sne.s32 s2, $0x0  }
0x53: {  	s3 =	rddreg [dreg:$0x2];
	[bflag:$0x3] =	sbarrier.arrive $0xFFFF;
	s2 =	simm.s32 @!p0 $0x1C02  }
0x54: {  	[timem:s3], [sflag:s2] =	dma.local @!p0 [hbm:s0], s1  }
0x55: {  	s0 =	simm.s32 @!p0 $0x2  }
0x56: {  	_ =	swait.ge @!p0 [sflag:s0], s1  }
0x57: {  	s1 =	ssub.s32 @!p0 $0x0, s1;
	[sflag:s0] =	ssyncset.done @!p0 $0x0  }
0x58: {  	[sflag:s0] =	ssyncadd.s32 @!p0 s1  }
0x59: {  	[bflag:$0x3] =	sbarrier.arrive $0xFFFF  }
0x5a: {  	_ =	shalt  }

// kernel: kernel.14.cloned.1.call-start
scs
__scs_entry_jumppad:
0x0: {  	(pc) =	sbr.rel $0x88, $3  }
0x1: {  	(tag) =	ssettag $0x0;
	lr =	simm.s32 $0x1  }
0x2: {  	[smem:$0x3F99] =	sst lr;
	_ =	strace $0xD0000000  }
0x3: {  	_ = 	snop  }
0x4: {  	_ = 	snop  }
0x5: {  	_ = 	snop  }
0x6: {  	_ = 	snop  }
0x7: {  	_ = 	snop  }
__scs_overlays_trampoline_lowered:
0x8: {  	[smem:$0x3FA8] =	sst s0  }
0x9: {  	[smem:$0x3FA9] =	sst s1  }
0xa: {  	[smem:$0x3FAA] =	sst s2  }
0xb: {  	[smem:$0x3FAB] =	sst s3  }
0xc: {  	[smem:$0x3FAC] =	sst s4  }
0xd: {  	[smem:$0x3FAD] =	sst s5  }
0xe: {  	[smem:$0x3FAE] =	sst s6  }
0xf: {  	[smem:$0x3FAF] =	sst s7  }
0x10: {  	[smem:$0x3FB0] =	sst s8  }
0x11: {  	[smem:$0x3FB1] =	sst s9;
	s0 =	simm.s32 @!p0 $0x0  }
0x12: {  	s1 =	sld [smem:$0x3F97];
	s0 =	simm.s32 @p0 $0x1  }
0x13: {  	[smem:$0x3FB2] =	sst s0;
	s0 =	simm.s32 @!p1 $0x0  }
0x14: {  	s2 =	sld [smem:$0x3F96];
	s0 =	simm.s32 @p1 $0x1  }
0x15: {  	[smem:$0x3FB3] =	sst s0;
	s0 =	simm.s32 @!p2 $0x0  }
0x16: {  	s3 =	sld [smem:$0x3FDB];
	s0 =	simm.s32 @p2 $0x1  }
0x17: {  	s4 =	simm.s32 $0x1BF5;
	[smem:$0x3FB5] =	sst s0  }
0x18: {  	s0 =	sld [smem:$0x3F98];
	_ =	swait.ge [sflag:s4], $0x0  }
0x19: {  	s7 =	sld [smem:$0x3F99]  }
0x1a: {  	s8 =	sadd.s32 $0xFFFFE003, lr  }
0x1b: {  	s9 =	sadd.s32 $0xFFFFFEF7, lr;
	s5 =	simm.s32 $0xFFFFFFFF;
	p2 =	slt.u32 s8, $0xFFFFF086  }
0x1c: {  	p1 =	slt.u32 s9, $0xF7A;
	s5 =	simm.s32 @!p2 $0x0  }
0x1d: {  	s5 =	simm.s32 @p1 $0x1;
	p0 =	seq.s32 s7, s2  }
0x1e: {  	s7 =	smul.u32 @!p0 $0xF7A, s2;
	p2 =	seq.s32 @!p0 s5, $0x0  }
0x1f: {  	s9 =	smul.u32 $0xF7A, s1;
	s8 =	simm.s32 @!p0 $0x1BF5;
	p2 =	por !p2, p0  }
0x20: {  	[sflag:s8] =	ssyncset.s32 @!p0 $0xFFFFF086;
	s6 =	sadd.s32 @!p0 s3, s7;
	s7 =	simm.s32 @!p0 $0x108  }
0x21: {  	s3 =	sadd.s32 s3, s9;
	s6 =	sadd.s32 @!p0 $0x88, s6;
	s7 =	simm.s32 @p2 $0x1082  }
0x22: {  	[simem:s7], [sflag:s8] =	dma.local @!p0 [hbm:s6], $0xF7A  }
0x23: {  	s9 =	sor.u32 $0xD0000000, s2;
	s6 =	simm.s32 $0x108;
	_ =	swait.ge @!p0 [sflag:s8], $0x0  }
0x24: {  	s3 =	sadd.s32 $0x88, s3;
	s6 =	simm.s32 @!p1 $0x1082;
	[sflag:s4] =	ssyncset.s32 $0xFFFFF086  }
0x25: {  	[simem:s6], [sflag:s4] =	dma.local [hbm:s3], $0xF7A  }
0x26: {  	[smem:$0x3F99] =	sst s1;
	(tag) =	ssettag s2;
	_ =	strace s9  }
0x27: {  	s1 =	sld [smem:$0x3FA9]  }
0x28: {  	s2 =	sld [smem:$0x3FAA]  }
0x29: {  	s4 =	sld [smem:$0x3FAC]  }
0x2a: {  	p0 =	seq.s32 s5, $0x0;
	s5 =	sld [smem:$0x3FAD]  }
0x2b: {  	s6 =	sld [smem:$0x3FAE]  }
0x2c: {  	s7 =	sld [smem:$0x3FAF]  }
0x2d: {  	s3 =	simm.s32 $0x108;
	s8 =	sld [smem:$0x3FB0]  }
0x2e: {  	s3 =	simm.s32 @!p0 $0x1082;
	s9 =	sld [smem:$0x3FB1]  }
0x2f: {  	lr =	sadd.s32 s0, s3;
	s0 =	sld [smem:$0x3FA8]  }
0x30: {  	s3 =	sld [smem:$0x3FAB]  }
0x31: {  	[smem:$0x3FB4] =	sst s10  }
0x32: {  	s10 =	sld [smem:$0x3FB2];
	_ =	sdelay $0x3  }
0x33: {  	p0 =	seq.s32 s10, $0x1;
	s10 =	sld [smem:$0x3FB4];
	_ =	sdelay $0x3  }
0x34: {  	[smem:$0x3FB4] =	sst s10  }
0x35: {  	s10 =	sld [smem:$0x3FB3];
	_ =	sdelay $0x3  }
0x36: {  	p1 =	seq.s32 s10, $0x1;
	s10 =	sld [smem:$0x3FB4];
	_ =	sdelay $0x3  }
0x37: {  	[smem:$0x3FB4] =	sst s10  }
0x38: {  	s10 =	sld [smem:$0x3FB5]  }
0x39: {  	_ = 	snop;
	(pc) =	sbr.ind lr, $3  }
0x3a: {  	_ = 	snop  }
0x3b: {  	_ = 	snop  }
0x3c: {  	p2 =	seq.s32 s10, $0x1;
	s10 =	sld [smem:$0x3FB4]  }
0x3d: {  	_ =	shalt  }
0x3e: {  	_ =	shalt  }
0x3f: {  	_ =	shalt  }
0x40: {  	_ =	shalt  }
0x41: {  	_ =	shalt  }
0x42: {  	_ =	shalt  }
0x43: {  	_ =	shalt  }
0x44: {  	_ =	shalt  }
0x45: {  	_ =	shalt  }
0x46: {  	_ =	shalt  }
0x47: {  	_ =	shalt  }
0x48: {  	_ =	shalt  }
0x49: {  	_ =	shalt  }
0x4a: {  	_ =	shalt  }
0x4b: {  	_ =	shalt  }
0x4c: {  	_ =	shalt  }
0x4d: {  	_ =	shalt  }
0x4e: {  	_ =	shalt  }
0x4f: {  	_ =	shalt  }
0x50: {  	_ =	shalt  }
0x51: {  	_ =	shalt  }
0x52: {  	_ =	shalt  }
0x53: {  	_ =	shalt  }
0x54: {  	_ =	shalt  }
0x55: {  	_ =	shalt  }
0x56: {  	_ =	shalt  }
0x57: {  	_ =	shalt  }
0x58: {  	_ =	shalt  }
0x59: {  	_ =	shalt  }
0x5a: {  	_ =	shalt  }
0x5b: {  	_ =	shalt  }
0x5c: {  	_ =	shalt  }
0x5d: {  	_ =	shalt  }
0x5e: {  	_ =	shalt  }
0x5f: {  	_ =	shalt  }
0x60: {  	_ =	shalt  }
0x61: {  	_ =	shalt  }
0x62: {  	_ =	shalt  }
0x63: {  	_ =	shalt  }
0x64: {  	_ =	shalt  }
0x65: {  	_ =	shalt  }
0x66: {  	_ =	shalt  }
0x67: {  	_ =	shalt  }
0x68: {  	_ =	shalt  }
0x69: {  	_ =	shalt  }
0x6a: {  	_ =	shalt  }
0x6b: {  	_ =	shalt  }
0x6c: {  	_ =	shalt  }
0x6d: {  	_ =	shalt  }
0x6e: {  	_ =	shalt  }
0x6f: {  	_ =	shalt  }
0x70: {  	_ =	shalt  }
0x71: {  	_ =	shalt  }
0x72: {  	_ =	shalt  }
0x73: {  	_ =	shalt  }
0x74: {  	_ =	shalt  }
0x75: {  	_ =	shalt  }
0x76: {  	_ =	shalt  }
0x77: {  	_ =	shalt  }
0x78: {  	_ =	shalt  }
0x79: {  	_ =	shalt  }
0x7a: {  	_ =	shalt  }
0x7b: {  	_ =	shalt  }
0x7c: {  	_ =	shalt  }
0x7d: {  	_ =	shalt  }
0x7e: {  	_ =	shalt  }
0x7f: {  	_ =	shalt  }
0x80: {  	_ =	shalt  }
0x81: {  	_ =	shalt  }
0x82: {  	_ =	shalt  }
0x83: {  	_ =	shalt  }
0x84: {  	_ =	shalt  }
0x85: {  	_ =	shalt  }
0x86: {  	_ =	shalt  }
0x87: {  	_ =	shalt  }
.Lfunc_end0:
.L_simem_size_0:
called_computation.2_lowered:
.L_overlay_start_0:
0x88: {  	s2 =	sld [smem:$0x3FD9]  }
0x89: {  	s3 =	sld [smem:$0x3FFE];
	_ =	sdelay $0x1  }
0x8a: {  	s1 =	srdreg.scid  }
0x8b: {  	s0 =	sand.u32 $0x1, s1  }
0x8c: {  	s17 =	sshll.u32 s0, $0xA;
	s2 =	sadd.s32 s3, s2  }
0x8d: {  	s2 =	sadd.s32 s2, s17  }
0x8e: {  	[smem:$0x3FC0] =	sst s2  }
0x8f: {  	_ = 	snop  }
0x90: {  	s2 =	sld [smem:$0x3FD0];
	(tm) =	ssettm $0x1  }
0x91: {  	s18 =	sld [smem:$0x3FFB];
	_ =	sdelay $0x3  }
0x92: {  	_ =	strace s18  }
0x93: {  	s3 =	sld [smem:$0x3FFC];
	_ =	sdelay $0x3  }
0x94: {  	_ =	strace s3  }
0x95: {  	s3 =	sld [smem:$0x3FFD];
	_ =	sdelay $0x3  }
0x96: {  	_ =	strace s3  }
0x97: {  	_ =	strace $0x8FFFFFFF  }
0x98: {  	s19 =	sld [smem:$0x3FDB];
	_ =	sdelay $0x1  }
0x99: {  	s4 =	simm.s32 $_scs_section_size  }
0x9a: {  	s5 =	simm.s32 $_size__tile_overlayer_lowered;
	s6 =	simm.s32 $_tile_overlayer_lowered  }
0x9b: {  	s22 =	simm.s32 $0x1BFF;
	s21 =	sshll.u32 s6, $0x1;
	s3 =	sadd.s32 s4, s19  }
0x9c: {  	s7 =	simm.s32 $0x0;
	s20 =	sshll.u32 s5, $0x1;
	s5 =	sadd.s32 s21, s3  }
0x9d: {  	[timem:s7], [sflag:s22] =	dma.local [hbm:s5], s20  }
0x9e: {  	_ =	swait.ge [sflag:s22], s20  }
0x9f: {  	s4 =	ssub.s32 $0x0, s20;
	[sflag:s22] =	ssyncset.done $0x0  }
0xa0: {  	[sflag:s22] =	ssyncadd.s32 s4;
	_ =	sdelay $0x1  }
0xa1: {  	s23 =	simm.s32 $0x1B8B  }
0xa2: {  	_ =	swait.ge [sflag:s23], $0x1  }
0xa3: {  	[sflag:s23] =	ssyncset.done $0x0  }
0xa4: {  	s25 =	simm.s32 $0x1B8E;
	s24 =	sld [smem:$0x3FFE];
	[sflag:s23] =	ssyncadd.s32 $0xFFFFFFFF  }
0xa5: {  	s26 =	simm.s32 $execute0_lowered;
	[smem:$0x3FD2] =	sst s25  }
0xa6: {  	s5 =	sshll.u32 s26, $0x1;
	_ =	strace $0x8000004C;
	[dreg:$0x1] =	wrdreg $0xFFFFFFFF  }
0xa7: {  	s28 =	simm.s32 $_size_execute0_lowered;
	s3 =	sadd.s32 s3, s5;
	[dreg:$0x0] =	wrdreg $0x0  }
0xa8: {  	s5 =	sshll.u32 s28, $0x1;
	[dreg:$0x2] =	wrdreg s3  }
0xa9: {  	[dreg:$0x3] =	wrdreg s5  }
0xaa: {  	[dreg:$0x4] =	wrdreg $0xC0  }
0xab: {  	_ =	task [dreg:s7], $0x5FFFF  }
0xac: {  	[dreg:$0x1] =	wrdreg $0xFFFFFFFF  }
0xad: {  	[dreg:$0x0] =	wrdreg $0x60  }
0xae: {  	[dreg:$0x2] =	wrdreg s24  }
0xaf: {  	[dreg:$0x3] =	wrdreg s2  }
0xb0: {  	[dreg:$0x4] =	wrdreg $0x41000  }
0xb1: {  	[dreg:$0x5] =	wrdreg $0x9  }
0xb2: {  	_ =	task.clear_ibuf [dreg:s7], $0x6FFFF;
	_ =	strace $0x9000004C  }
0xb3: {  	s29 =	simm.s32 $0x9;
	_ =	strace $0x8000004E  }
0xb4: {  	_ =	swait.ge [sflag:s29], $0x1  }
0xb5: {  	[sflag:s29] =	ssyncadd.s32 $0xFFFFFFFF  }
0xb6: {  	_ =	strace $0x9000004E  }
0xb7: {  	_ =	sfence  }
0xb8: {  	s30 =	sld [smem:$0x0];
	_ =	sdelay $0x2  }
0xb9: {  	s31 =	sshll.u32 s1, $0xD;
	s1 =	sshrl.u32 s1, $0x2  }
0xba: {  	s3 =	sand.u32 $0x4000, s31;
	s1 =	sadd.s32 s1, s30  }
0xbb: {  	s0 =	sor.u32 s3, s0;
	s1 =	sshll.u32 s1, $0x11  }
0xbc: {  	s0 =	sor.u32 s1, s0  }
0xbd: {  	s0 =	sadd.s32 $0x8F2B, s0  }
0xbe: {  	[sflag:s0] =	ssyncadd.remote.s32 $0x1  }
0xbf: {  	_ =	sfence.sel $0xFFFF  }
0xc0: {  	[dreg:$0x0] =	wrdreg $0xFFFFFFFF;
	(pc) =	sbr.abs _section_cstart, $3  }
0xc1: {  	[dreg:$0x1] =	wrdreg $0xFFFFFFFF  }
0xc2: {  	_ =	task.clear_ibuf [dreg:s7], $0x2FFFF;
	_ =	strace $0x9FFFFFFF  }
0xc3: {  	(tm) =	ssettm $0x7FFFFFFF  }
tec
execute0_lowered:
.L_overlay_start_1:
0x0: {  	(tag) =	ssettag $0x1  }
0x1: {  	s6 =	rddreg [dreg:$0x0]  }
0x2: {  	s8 =	rddreg [dreg:$0x1]  }
0x3: {  	s0 =	stileid.u32;
	s1 =	srdreg.scid  }
0x4: {  	s2 =	rddreg [dreg:$0x2];
	s3 =	simm.s32 $0x0;
	s9 =	smul.u32 $0x9E0, s0  }
0x5: {  	s7 =	sand.u32 $0x1, s1;
	s1 =	rddreg [dreg:$0x3];
	s10 =	smul.u32 $0x13C00, s0  }
0x6: {  	s16 =	simm.s32 $0x0;
	[smem:$0x7FF] =	sst s3;
	s13 =	smul.u32 $0x4F000, s0  }
0x7: {  	s4 =	sadd.s32 $0x2800, s6;
	s14 =	sshll.u32 s0, $0x6;
	s5 =	smul.u32 $0x13C000, s7  }
0x8: {  	_ =	strace $0x8000004D;
	s12 =	ssub.s32 $0x2, s7;
	s15 =	smul.u32 $0x4F0, s7  }
0x9: {  	s11 =	sadd.s32 s9, s6;
	s30 =	sshrl.u32 s12, $0x1;
	s13 =	sshrl.u32 s13, $0x2  }
0xa: {  	s9 =	sadd.s32 s9, s8;
	s5 =	sadd.s32 s10, s5;
	s12 =	ssub.s32 s12, s30  }
0xb: {  	s13 =	sadd.s32 s13, s2;
	s31 =	sadd.s32 s15, s11;
	s9 =	sadd.s32 s15, s9  }
0xc: {  	s15 =	simm.s32 $0x1;
	s10 =	sshrl.u32 s5, $0x3;
	s5 =	sadd.s32 $0x29A00, s6  }
0xd: {  	s8 =	smax.u32 s12, $0x1;
	s11 =	sshrl.u32 s13, $0x3;
	s12 =	simm.s32 $0x2  }
0xe: {  	s13 =	simm.s32 $0x80;
	s10 =	sadd.s32 s10, s6;
	s6 =	sor.u32 $0x1C02, s14  }
0xf: {  	s14 =	simm.s32 $0x100;
	s7 =	sadd.s32 $0x5E600, s10;
	s10 =	sadd.s32 $0x54800, s31  }
.LBB2_1:
0x10: {  	[spmem:s11], [sflag:s6] =	dma.local [hbm:s5], $0x2780  }
0x11: {  	_ =	swait.ge [sflag:s12], $0x2780  }
0x12: {  	[sflag:s12] =	ssyncset.done $0x0  }
0x13: {  	[sflag:s12] =	ssyncadd.s32 $0xFFFFD880  }
0x14: {  	s17 =	sadd.s32 $0x0, s10;
	[bflag:$0x0] =	sbarrier.arrive $0xFFFF  }
0x15: {  	[tilespmem:s3], [sflag:$0x2] =	stream.linear.gather [hbm4b:s17+s3], $0x80, $0x38;
	[tilespmem:$0x17D00] =	vst v63  }
0x16: {  	_ =	swait.ge [sflag:s12], $0x80  }
0x17: {  	[sflag:s12] =	ssyncset.done $0x0  }
0x18: {  	s31 =	sadd.s32 $0x0, s9;
	[sflag:s12] =	ssyncadd.s32 $0xFFFFFF80  }
0x19: {  	[tilespmem:s13], [sflag:$0x2] =	stream.linear.gather [hbm4b:s31+s3], $0x80, $0x38;
	[tilespmem:$0x17D00] =	vst v63  }
0x1a: {  	_ =	swait.ge [sflag:s12], $0x80  }
0x1b: {  	[sflag:s12] =	ssyncset.done $0x0  }
0x1c: {  	[sflag:s12] =	ssyncadd.s32 $0xFFFFFF80  }
0x1d: {  	[tilespmem:s14], [sflag:$0x1] =	stream.indirect.gather [hbm4b:s4+s13], $0x80, s3, s13, $0xb8;
	[tilespmem:$0x17D00] =	vst v63  }
0x1e: {  	_ =	swait.ge [sflag:s15], $0x4000  }
0x1f: {  	[sflag:s15] =	ssyncset.done $0x0  }
0x20: {  	[sflag:s15] =	ssyncadd.s32 $0xFFFFC000  }
0x21: {  	[spmem:s2] =	stream.indirect.scatter.add.f32 [tilespmem:s14], [sflag:$0x2], $0x80, s13, s13, $0xb8;
	[tilespmem:$0x17D00] =	vst v63  }
0x22: {  	_ =	swait.ge [sflag:s12], $0x4000  }
0x23: {  	s18 =	simm.s32 $0x20;
	s17 =	simm.s32 $0x10;
	[sflag:s12] =	ssyncset.done $0x0  }
.LBB2_2:
0x24: {  	s19 =	sadd.s32 s17, s10  }
0x25: {  	[sflag:s12] =	ssyncadd.s32 $0xFFFFC000;
	s20 =	smov.u32 s18;
	s21 =	sadd.s32 $0x10, s18  }
0x26: {  	[tilespmem:s3], [sflag:$0x2] =	stream.linear.gather [hbm4b:s19+s3], $0x80, $0x38;
	[tilespmem:$0x17D00] =	vst v63  }
0x27: {  	p0 =	sne.s32 s18, $0x4E0;
	_ =	swait.ge [sflag:s12], $0x80  }
0x28: {  	[sflag:s12] =	ssyncset.done $0x0  }
0x29: {  	s18 =	sadd.s32 s17, s9;
	s17 =	smov.u32 s20;
	[sflag:s12] =	ssyncadd.s32 $0xFFFFFF80  }
0x2a: {  	[tilespmem:s13], [sflag:$0x2] =	stream.linear.gather [hbm4b:s18+s3], $0x80, $0x38;
	[tilespmem:$0x17D00] =	vst v63  }
0x2b: {  	_ =	swait.ge [sflag:s12], $0x80  }
0x2c: {  	[sflag:s12] =	ssyncset.done $0x0  }
0x2d: {  	[sflag:s12] =	ssyncadd.s32 $0xFFFFFF80  }
0x2e: {  	[tilespmem:s14], [sflag:$0x1] =	stream.indirect.gather [hbm4b:s4+s13], $0x80, s3, s13, $0xb8;
	[tilespmem:$0x17D00] =	vst v63  }
0x2f: {  	_ =	swait.ge [sflag:s15], $0x4000  }
.Ltmp0:
0x30: {  	[sflag:s15] =	ssyncset.done $0x0;
	(pc) =	sbr.rel @p0 .LBB2_2-.Ltmp0, $4  }
0x31: {  	[sflag:s15] =	ssyncadd.s32 $0xFFFFC000  }
0x32: {  	[spmem:s2] =	stream.indirect.scatter.add.f32 [tilespmem:s14], [sflag:$0x2], $0x80, s13, s13, $0xb8;
	[tilespmem:$0x17D00] =	vst v63  }
0x33: {  	_ =	swait.ge [sflag:s12], $0x4000  }
0x34: {  	s18 =	smov.u32 s21;
	[sflag:s12] =	ssyncset.done $0x0  }
0x35: {  	s18 =	sadd.s32 s17, s10;
	[sflag:s12] =	ssyncadd.s32 $0xFFFFC000  }
0x36: {  	[tilespmem:s3], [sflag:$0x2] =	stream.linear.gather [hbm4b:s18+s3], $0x80, $0x38;
	[tilespmem:$0x17D00] =	vst v63  }
0x37: {  	_ =	swait.ge [sflag:s12], $0x80  }
0x38: {  	[sflag:s12] =	ssyncset.done $0x0  }
0x39: {  	s31 =	sadd.s32 s17, s9;
	[sflag:s12] =	ssyncadd.s32 $0xFFFFFF80  }
0x3a: {  	[tilespmem:s13], [sflag:$0x2] =	stream.linear.gather [hbm4b:s31+s3], $0x80, $0x38;
	[tilespmem:$0x17D00] =	vst v63  }
0x3b: {  	_ =	swait.ge [sflag:s12], $0x80  }
0x3c: {  	[sflag:s12] =	ssyncset.done $0x0  }
0x3d: {  	[sflag:s12] =	ssyncadd.s32 $0xFFFFFF80  }
0x3e: {  	[tilespmem:s14], [sflag:$0x1] =	stream.indirect.gather [hbm4b:s4+s13], $0x80, s3, s13, $0xb8;
	[tilespmem:$0x17D00] =	vst v63  }
0x3f: {  	_ =	swait.ge [sflag:s15], $0x4000  }
0x40: {  	[sflag:s15] =	ssyncset.done $0x0  }
0x41: {  	[sflag:s15] =	ssyncadd.s32 $0xFFFFC000  }
0x42: {  	[spmem:s2] =	stream.indirect.scatter.add.f32 [tilespmem:s14], [sflag:$0x2], $0x80, s13, s13, $0xb8;
	[tilespmem:$0x17D00] =	vst v63  }
0x43: {  	_ =	swait.ge [sflag:s12], $0x4000  }
0x44: {  	s16 =	sadd.s32 $0x1, s16;
	[sflag:s12] =	ssyncset.done $0x0  }
0x45: {  	p0 =	sne.s32 s16, s8;
	[sflag:s12] =	ssyncadd.s32 $0xFFFFC000  }
.Ltmp1:
0x46: {  	[bflag:$0x0] =	sbarrier.arrive $0xFFFF;
	(pc) =	sbr.rel @p0 .LBB2_1-.Ltmp1, $4  }
0x47: {  	[hbm:s7], [sflag:s6] =	dma.local [spmem:s11], $0x2780  }
0x48: {  	_ =	swait.ge [sflag:s12], $0x2780  }
0x49: {  	[sflag:s12] =	ssyncset.done $0x0  }
0x4a: {  	[sflag:s12] =	ssyncadd.s32 $0xFFFFD880  }
0x4b: {  	_ =	sfence.sel $0x180000  }
0x4c: {  	[bflag:$0x0] =	sbarrier.arrive $0xFFFF  }
0x4d: {  	p0 =	sne.s32 s0, $0x0;
	_ =	strace $0x9000004D  }
0x4e: {  	s0 =	sadd.s32 @!p0 $0x100000, s1;
	[bflag:$0x2] =	sbarrier.arrive $0xFFFF  }
0x4f: {  	[sflag:s0] =	ssyncadd.tile.s32 @!p0 $0x1;
	_ =	shalt  }
.Lfunc_end2:
_tile_overlayer_lowered:
.L_overlay_start_2:
0x50: {  	(tag) =	ssettag $0x2  }
0x51: {  	s0 =	rddreg [dreg:$0x0];
	s2 =	stileid.u32  }
0x52: {  	s1 =	rddreg [dreg:$0x1];
	p0 =	sne.s32 s2, $0x0  }
0x53: {  	s3 =	rddreg [dreg:$0x2];
	[bflag:$0x3] =	sbarrier.arrive $0xFFFF;
	s2 =	simm.s32 @!p0 $0x1C02  }
0x54: {  	[timem:s3], [sflag:s2] =	dma.local @!p0 [hbm:s0], s1  }
0x55: {  	s0 =	simm.s32 @!p0 $0x2  }
0x56: {  	_ =	swait.ge @!p0 [sflag:s0], s1  }
0x57: {  	s1 =	ssub.s32 @!p0 $0x0, s1;
	[sflag:s0] =	ssyncset.done @!p0 $0x0  }
0x58: {  	[sflag:s0] =	ssyncadd.s32 @!p0 s1  }
0x59: {  	[bflag:$0x3] =	sbarrier.arrive $0xFFFF  }
0x5a: {  	_ =	shalt  }

// kernel: kernel.8.cloned.1.call-start
scs
__scs_entry_jumppad:
0x0: {  	(pc) =	sbr.rel $0x88, $3  }
0x1: {  	(tag) =	ssettag $0x0;
	lr =	simm.s32 $0x1  }
0x2: {  	[smem:$0x3F99] =	sst lr;
	_ =	strace $0xD0000000  }
0x3: {  	_ = 	snop  }
0x4: {  	_ = 	snop  }
0x5: {  	_ = 	snop  }
0x6: {  	_ = 	snop  }
0x7: {  	_ = 	snop  }
__scs_overlays_trampoline_lowered:
0x8: {  	[smem:$0x3FA8] =	sst s0  }
0x9: {  	[smem:$0x3FA9] =	sst s1  }
0xa: {  	[smem:$0x3FAA] =	sst s2  }
0xb: {  	[smem:$0x3FAB] =	sst s3  }
0xc: {  	[smem:$0x3FAC] =	sst s4  }
0xd: {  	[smem:$0x3FAD] =	sst s5  }
0xe: {  	[smem:$0x3FAE] =	sst s6  }
0xf: {  	[smem:$0x3FAF] =	sst s7  }
0x10: {  	[smem:$0x3FB0] =	sst s8  }
0x11: {  	[smem:$0x3FB1] =	sst s9;
	s0 =	simm.s32 @!p0 $0x0  }
0x12: {  	s1 =	sld [smem:$0x3F97];
	s0 =	simm.s32 @p0 $0x1  }
0x13: {  	[smem:$0x3FB2] =	sst s0;
	s0 =	simm.s32 @!p1 $0x0  }
0x14: {  	s2 =	sld [smem:$0x3F96];
	s0 =	simm.s32 @p1 $0x1  }
0x15: {  	[smem:$0x3FB3] =	sst s0;
	s0 =	simm.s32 @!p2 $0x0  }
0x16: {  	s3 =	sld [smem:$0x3FDB];
	s0 =	simm.s32 @p2 $0x1  }
0x17: {  	s4 =	simm.s32 $0x1BF5;
	[smem:$0x3FB5] =	sst s0  }
0x18: {  	s0 =	sld [smem:$0x3F98];
	_ =	swait.ge [sflag:s4], $0x0  }
0x19: {  	s7 =	sld [smem:$0x3F99]  }
0x1a: {  	s8 =	sadd.s32 $0xFFFFE003, lr  }
0x1b: {  	s9 =	sadd.s32 $0xFFFFFEF7, lr;
	s5 =	simm.s32 $0xFFFFFFFF;
	p2 =	slt.u32 s8, $0xFFFFF086  }
0x1c: {  	p1 =	slt.u32 s9, $0xF7A;
	s5 =	simm.s32 @!p2 $0x0  }
0x1d: {  	s5 =	simm.s32 @p1 $0x1;
	p0 =	seq.s32 s7, s2  }
0x1e: {  	s7 =	smul.u32 @!p0 $0xF7A, s2;
	p2 =	seq.s32 @!p0 s5, $0x0  }
0x1f: {  	s9 =	smul.u32 $0xF7A, s1;
	s8 =	simm.s32 @!p0 $0x1BF5;
	p2 =	por !p2, p0  }
0x20: {  	[sflag:s8] =	ssyncset.s32 @!p0 $0xFFFFF086;
	s6 =	sadd.s32 @!p0 s3, s7;
	s7 =	simm.s32 @!p0 $0x108  }
0x21: {  	s3 =	sadd.s32 s3, s9;
	s6 =	sadd.s32 @!p0 $0x88, s6;
	s7 =	simm.s32 @p2 $0x1082  }
0x22: {  	[simem:s7], [sflag:s8] =	dma.local @!p0 [hbm:s6], $0xF7A  }
0x23: {  	s9 =	sor.u32 $0xD0000000, s2;
	s6 =	simm.s32 $0x108;
	_ =	swait.ge @!p0 [sflag:s8], $0x0  }
0x24: {  	s3 =	sadd.s32 $0x88, s3;
	s6 =	simm.s32 @!p1 $0x1082;
	[sflag:s4] =	ssyncset.s32 $0xFFFFF086  }
0x25: {  	[simem:s6], [sflag:s4] =	dma.local [hbm:s3], $0xF7A  }
0x26: {  	[smem:$0x3F99] =	sst s1;
	(tag) =	ssettag s2;
	_ =	strace s9  }
0x27: {  	s1 =	sld [smem:$0x3FA9]  }
0x28: {  	s2 =	sld [smem:$0x3FAA]  }
0x29: {  	s4 =	sld [smem:$0x3FAC]  }
0x2a: {  	p0 =	seq.s32 s5, $0x0;
	s5 =	sld [smem:$0x3FAD]  }
0x2b: {  	s6 =	sld [smem:$0x3FAE]  }
0x2c: {  	s7 =	sld [smem:$0x3FAF]  }
0x2d: {  	s3 =	simm.s32 $0x108;
	s8 =	sld [smem:$0x3FB0]  }
0x2e: {  	s3 =	simm.s32 @!p0 $0x1082;
	s9 =	sld [smem:$0x3FB1]  }
0x2f: {  	lr =	sadd.s32 s0, s3;
	s0 =	sld [smem:$0x3FA8]  }
0x30: {  	s3 =	sld [smem:$0x3FAB]  }
0x31: {  	[smem:$0x3FB4] =	sst s10  }
0x32: {  	s10 =	sld [smem:$0x3FB2];
	_ =	sdelay $0x3  }
0x33: {  	p0 =	seq.s32 s10, $0x1;
	s10 =	sld [smem:$0x3FB4];
	_ =	sdelay $0x3  }
0x34: {  	[smem:$0x3FB4] =	sst s10  }
0x35: {  	s10 =	sld [smem:$0x3FB3];
	_ =	sdelay $0x3  }
0x36: {  	p1 =	seq.s32 s10, $0x1;
	s10 =	sld [smem:$0x3FB4];
	_ =	sdelay $0x3  }
0x37: {  	[smem:$0x3FB4] =	sst s10  }
0x38: {  	s10 =	sld [smem:$0x3FB5]  }
0x39: {  	_ = 	snop;
	(pc) =	sbr.ind lr, $3  }
0x3a: {  	_ = 	snop  }
0x3b: {  	_ = 	snop  }
0x3c: {  	p2 =	seq.s32 s10, $0x1;
	s10 =	sld [smem:$0x3FB4]  }
0x3d: {  	_ =	shalt  }
0x3e: {  	_ =	shalt  }
0x3f: {  	_ =	shalt  }
0x40: {  	_ =	shalt  }
0x41: {  	_ =	shalt  }
0x42: {  	_ =	shalt  }
0x43: {  	_ =	shalt  }
0x44: {  	_ =	shalt  }
0x45: {  	_ =	shalt  }
0x46: {  	_ =	shalt  }
0x47: {  	_ =	shalt  }
0x48: {  	_ =	shalt  }
0x49: {  	_ =	shalt  }
0x4a: {  	_ =	shalt  }
0x4b: {  	_ =	shalt  }
0x4c: {  	_ =	shalt  }
0x4d: {  	_ =	shalt  }
0x4e: {  	_ =	shalt  }
0x4f: {  	_ =	shalt  }
0x50: {  	_ =	shalt  }
0x51: {  	_ =	shalt  }
0x52: {  	_ =	shalt  }
0x53: {  	_ =	shalt  }
0x54: {  	_ =	shalt  }
0x55: {  	_ =	shalt  }
0x56: {  	_ =	shalt  }
0x57: {  	_ =	shalt  }
0x58: {  	_ =	shalt  }
0x59: {  	_ =	shalt  }
0x5a: {  	_ =	shalt  }
0x5b: {  	_ =	shalt  }
0x5c: {  	_ =	shalt  }
0x5d: {  	_ =	shalt  }
0x5e: {  	_ =	shalt  }
0x5f: {  	_ =	shalt  }
0x60: {  	_ =	shalt  }
0x61: {  	_ =	shalt  }
0x62: {  	_ =	shalt  }
0x63: {  	_ =	shalt  }
0x64: {  	_ =	shalt  }
0x65: {  	_ =	shalt  }
0x66: {  	_ =	shalt  }
0x67: {  	_ =	shalt  }
0x68: {  	_ =	shalt  }
0x69: {  	_ =	shalt  }
0x6a: {  	_ =	shalt  }
0x6b: {  	_ =	shalt  }
0x6c: {  	_ =	shalt  }
0x6d: {  	_ =	shalt  }
0x6e: {  	_ =	shalt  }
0x6f: {  	_ =	shalt  }
0x70: {  	_ =	shalt  }
0x71: {  	_ =	shalt  }
0x72: {  	_ =	shalt  }
0x73: {  	_ =	shalt  }
0x74: {  	_ =	shalt  }
0x75: {  	_ =	shalt  }
0x76: {  	_ =	shalt  }
0x77: {  	_ =	shalt  }
0x78: {  	_ =	shalt  }
0x79: {  	_ =	shalt  }
0x7a: {  	_ =	shalt  }
0x7b: {  	_ =	shalt  }
0x7c: {  	_ =	shalt  }
0x7d: {  	_ =	shalt  }
0x7e: {  	_ =	shalt  }
0x7f: {  	_ =	shalt  }
0x80: {  	_ =	shalt  }
0x81: {  	_ =	shalt  }
0x82: {  	_ =	shalt  }
0x83: {  	_ =	shalt  }
0x84: {  	_ =	shalt  }
0x85: {  	_ =	shalt  }
0x86: {  	_ =	shalt  }
0x87: {  	_ =	shalt  }
.Lfunc_end0:
.L_simem_size_0:
called_computation_lowered:
.L_overlay_start_0:
0x88: {  	s2 =	sld [smem:$0x3FD9]  }
0x89: {  	s3 =	sld [smem:$0x3FFE];
	_ =	sdelay $0x1  }
0x8a: {  	s1 =	srdreg.scid  }
0x8b: {  	s0 =	sand.u32 $0x1, s1  }
0x8c: {  	s17 =	sshll.u32 s0, $0xA;
	s2 =	sadd.s32 s3, s2  }
0x8d: {  	s2 =	sadd.s32 s2, s17  }
0x8e: {  	[smem:$0x3FC0] =	sst s2  }
0x8f: {  	_ = 	snop  }
0x90: {  	s2 =	sld [smem:$0x3FD0];
	(tm) =	ssettm $0x1  }
0x91: {  	s18 =	sld [smem:$0x3FFB];
	_ =	sdelay $0x3  }
0x92: {  	_ =	strace s18  }
0x93: {  	s3 =	sld [smem:$0x3FFC];
	_ =	sdelay $0x3  }
0x94: {  	_ =	strace s3  }
0x95: {  	s3 =	sld [smem:$0x3FFD];
	_ =	sdelay $0x3  }
0x96: {  	_ =	strace s3  }
0x97: {  	_ =	strace $0x8FFFFFFF  }
0x98: {  	s19 =	sld [smem:$0x3FDB];
	_ =	sdelay $0x1  }
0x99: {  	s4 =	simm.s32 $_scs_section_size  }
0x9a: {  	s5 =	simm.s32 $_size__tile_overlayer_lowered;
	s6 =	simm.s32 $_tile_overlayer_lowered  }
0x9b: {  	s22 =	simm.s32 $0x1BFF;
	s21 =	sshll.u32 s6, $0x1;
	s3 =	sadd.s32 s4, s19  }
0x9c: {  	s7 =	simm.s32 $0x0;
	s20 =	sshll.u32 s5, $0x1;
	s5 =	sadd.s32 s21, s3  }
0x9d: {  	[timem:s7], [sflag:s22] =	dma.local [hbm:s5], s20  }
0x9e: {  	_ =	swait.ge [sflag:s22], s20  }
0x9f: {  	s4 =	ssub.s32 $0x0, s20;
	[sflag:s22] =	ssyncset.done $0x0  }
0xa0: {  	[sflag:s22] =	ssyncadd.s32 s4;
	_ =	sdelay $0x1  }
0xa1: {  	s23 =	simm.s32 $0x1B8B  }
0xa2: {  	_ =	swait.ge [sflag:s23], $0x1  }
0xa3: {  	[sflag:s23] =	ssyncset.done $0x0  }
0xa4: {  	s25 =	simm.s32 $0x1B8E;
	s24 =	sld [smem:$0x3FFE];
	[sflag:s23] =	ssyncadd.s32 $0xFFFFFFFF  }
0xa5: {  	s26 =	simm.s32 $execute0_lowered;
	[smem:$0x3FD2] =	sst s25  }
0xa6: {  	s5 =	sshll.u32 s26, $0x1;
	_ =	strace $0x80000046;
	[dreg:$0x1] =	wrdreg $0xFFFFFFFF  }
0xa7: {  	s28 =	simm.s32 $_size_execute0_lowered;
	s3 =	sadd.s32 s3, s5;
	[dreg:$0x0] =	wrdreg $0x0  }
0xa8: {  	s5 =	sshll.u32 s28, $0x1;
	[dreg:$0x2] =	wrdreg s3  }
0xa9: {  	[dreg:$0x3] =	wrdreg s5  }
0xaa: {  	[dreg:$0x4] =	wrdreg $0xC0  }
0xab: {  	_ =	task [dreg:s7], $0x5FFFF  }
0xac: {  	[dreg:$0x1] =	wrdreg $0xFFFFFFFF  }
0xad: {  	[dreg:$0x0] =	wrdreg $0x60  }
0xae: {  	[dreg:$0x2] =	wrdreg s2  }
0xaf: {  	[dreg:$0x3] =	wrdreg s24  }
0xb0: {  	[dreg:$0x4] =	wrdreg $0x40800  }
0xb1: {  	[dreg:$0x5] =	wrdreg $0x9  }
0xb2: {  	_ =	task.clear_ibuf [dreg:s7], $0x6FFFF;
	_ =	strace $0x90000046  }
0xb3: {  	s29 =	simm.s32 $0x9;
	_ =	strace $0x80000048  }
0xb4: {  	_ =	swait.ge [sflag:s29], $0x1  }
0xb5: {  	[sflag:s29] =	ssyncadd.s32 $0xFFFFFFFF  }
0xb6: {  	_ =	strace $0x90000048  }
0xb7: {  	_ =	sfence  }
0xb8: {  	s30 =	sld [smem:$0x0];
	_ =	sdelay $0x2  }
0xb9: {  	s31 =	sshll.u32 s1, $0xD;
	s1 =	sshrl.u32 s1, $0x2  }
0xba: {  	s3 =	sand.u32 $0x4000, s31;
	s1 =	sadd.s32 s1, s30  }
0xbb: {  	s0 =	sor.u32 s3, s0;
	s1 =	sshll.u32 s1, $0x11  }
0xbc: {  	s0 =	sor.u32 s1, s0  }
0xbd: {  	s0 =	sadd.s32 $0x8F2B, s0  }
0xbe: {  	[sflag:s0] =	ssyncadd.remote.s32 $0x1  }
0xbf: {  	_ =	sfence.sel $0xFFFF  }
0xc0: {  	[dreg:$0x0] =	wrdreg $0xFFFFFFFF;
	(pc) =	sbr.abs _section_cstart, $3  }
0xc1: {  	[dreg:$0x1] =	wrdreg $0xFFFFFFFF  }
0xc2: {  	_ =	task.clear_ibuf [dreg:s7], $0x2FFFF;
	_ =	strace $0x9FFFFFFF  }
0xc3: {  	(tm) =	ssettm $0x7FFFFFFF  }
tec
execute0_lowered:
.L_overlay_start_1:
0x0: {  	(tag) =	ssettag $0x1  }
0x1: {  	s8 =	rddreg [dreg:$0x0]  }
0x2: {  	s6 =	rddreg [dreg:$0x1];
	s0 =	srdreg.scid  }
0x3: {  	s2 =	rddreg [dreg:$0x2];
	s1 =	stileid.u32;
	s3 =	simm.s32 $0x0  }
0x4: {  	s7 =	sand.u32 $0x1, s0;
	s0 =	rddreg [dreg:$0x3];
	s9 =	smul.u32 $0x13C00, s1  }
0x5: {  	[smem:$0x7FF] =	sst s3;
	s11 =	smul.u32 $0x4F000, s1  }
0x6: {  	s4 =	sadd.s32 $0x5000, s6;
	s29 =	smul.u32 $0x9E0, s1;
	s30 =	sshll.u32 s1, $0x6  }
0x7: {  	s5 =	smul.u32 $0x13C000, s7;
	_ =	strace $0x80000047;
	s10 =	ssub.s32 $0x2, s7  }
0x8: {  	s13 =	smul.u32 $0x4F0, s7;
	s26 =	sshrl.u32 s10, $0x1;
	s28 =	sshrl.u32 s11, $0x2  }
0x9: {  	s31 =	sadd.s32 s29, s8;
	s11 =	simm.s32 $0x1;
	s5 =	sadd.s32 s9, s5  }
0xa: {  	s10 =	ssub.s32 s10, s26;
	s12 =	sadd.s32 s28, s2;
	s9 =	sshrl.u32 s5, $0x3  }
0xb: {  	s5 =	sadd.s32 $0x2800, s6;
	s8 =	smax.u32 s10, $0x1;
	s10 =	sshrl.u32 s12, $0x3  }
0xc: {  	s12 =	simm.s32 $0x80;
	s9 =	sadd.s32 s9, s6;
	s6 =	sor.u32 $0x1C01, s30  }
0xd: {  	s7 =	sadd.s32 $0x5800, s9;
	s9 =	sadd.s32 s13, s31;
	s13 =	simm.s32 $0x0  }
.LBB2_1:
0xe: {  	[spmem:s10], [sflag:s6] =	dma.local [hbm:s5], $0x2780  }
0xf: {  	_ =	swait.ge [sflag:s11], $0x2780  }
0x10: {  	[sflag:s11] =	ssyncset.done $0x0  }
0x11: {  	[sflag:s11] =	ssyncadd.s32 $0xFFFFD880  }
0x12: {  	[tilespmem:s12], [sflag:$0x1] =	stream.linear.gather [hbm4b:s4+s3], $0x4000, $0x38;
	[tilespmem:$0x6800] =	vst v63  }
0x13: {  	_ =	swait.ge [sflag:s11], $0x4000  }
0x14: {  	[sflag:s11] =	ssyncset.done $0x0  }
0x15: {  	[sflag:s11] =	ssyncadd.s32 $0xFFFFC000  }
0x16: {  	s14 =	sadd.s32 $0x0, s9;
	[bflag:$0x0] =	sbarrier.arrive $0xFFFF  }
0x17: {  	[tilespmem:s3], [sflag:$0x1] =	stream.linear.gather [hbm4b:s14+s3], $0x80, $0x38;
	[tilespmem:$0x6800] =	vst v63  }
0x18: {  	_ =	swait.ge [sflag:s11], $0x80  }
0x19: {  	[sflag:s11] =	ssyncset.done $0x0  }
0x1a: {  	[sflag:s11] =	ssyncadd.s32 $0xFFFFFF80  }
0x1b: {  	[spmem:s2] =	stream.indirect.scatter.add.f32 [tilespmem:s12], [sflag:$0x1], $0x10, s3, s12, $0xb8;
	[tilespmem:$0x6800] =	vst v63  }
0x1c: {  	_ =	swait.ge [sflag:s11], $0x800  }
0x1d: {  	s15 =	simm.s32 $0x20;
	s14 =	simm.s32 $0x10;
	[sflag:s11] =	ssyncset.done $0x0  }
.LBB2_2:
0x1e: {  	s16 =	sadd.s32 s14, s9  }
0x1f: {  	[sflag:s11] =	ssyncadd.s32 $0xFFFFF800;
	s14 =	smov.u32 s15;
	s17 =	sadd.s32 $0x10, s15  }
0x20: {  	[tilespmem:s3], [sflag:$0x1] =	stream.linear.gather [hbm4b:s16+s3], $0x80, $0x38;
	[tilespmem:$0x6800] =	vst v63  }
0x21: {  	p0 =	sne.s32 s15, $0x4E0;
	_ =	swait.ge [sflag:s11], $0x80  }
.Ltmp0:
0x22: {  	[sflag:s11] =	ssyncset.done $0x0;
	(pc) =	sbr.rel @p0 .LBB2_2-.Ltmp0, $4  }
0x23: {  	[sflag:s11] =	ssyncadd.s32 $0xFFFFFF80  }
0x24: {  	[spmem:s2] =	stream.indirect.scatter.add.f32 [tilespmem:s12], [sflag:$0x1], $0x10, s3, s12, $0xb8;
	[tilespmem:$0x6800] =	vst v63  }
0x25: {  	_ =	swait.ge [sflag:s11], $0x800  }
0x26: {  	s15 =	smov.u32 s17;
	[sflag:s11] =	ssyncset.done $0x0  }
0x27: {  	s14 =	sadd.s32 s14, s9;
	[sflag:s11] =	ssyncadd.s32 $0xFFFFF800  }
0x28: {  	[tilespmem:s3], [sflag:$0x1] =	stream.linear.gather [hbm4b:s14+s3], $0x80, $0x38;
	[tilespmem:$0x6800] =	vst v63  }
0x29: {  	_ =	swait.ge [sflag:s11], $0x80  }
0x2a: {  	[sflag:s11] =	ssyncset.done $0x0  }
0x2b: {  	[sflag:s11] =	ssyncadd.s32 $0xFFFFFF80  }
0x2c: {  	[spmem:s2] =	stream.indirect.scatter.add.f32 [tilespmem:s12], [sflag:$0x1], $0x10, s3, s12, $0xb8;
	[tilespmem:$0x6800] =	vst v63  }
0x2d: {  	_ =	swait.ge [sflag:s11], $0x800  }
0x2e: {  	s13 =	sadd.s32 $0x1, s13;
	[sflag:s11] =	ssyncset.done $0x0  }
0x2f: {  	p0 =	sne.s32 s13, s8;
	[sflag:s11] =	ssyncadd.s32 $0xFFFFF800  }
.Ltmp1:
0x30: {  	[bflag:$0x0] =	sbarrier.arrive $0xFFFF;
	(pc) =	sbr.rel @p0 .LBB2_1-.Ltmp1, $4  }
0x31: {  	[hbm:s7], [sflag:s6] =	dma.local [spmem:s10], $0x2780  }
0x32: {  	_ =	swait.ge [sflag:s11], $0x2780  }
0x33: {  	[sflag:s11] =	ssyncset.done $0x0  }
0x34: {  	[sflag:s11] =	ssyncadd.s32 $0xFFFFD880  }
0x35: {  	_ =	sfence.sel $0x180000  }
0x36: {  	[bflag:$0x0] =	sbarrier.arrive $0xFFFF  }
0x37: {  	p0 =	sne.s32 s1, $0x0;
	_ =	strace $0x90000047  }
0x38: {  	s0 =	sadd.s32 @!p0 $0x100000, s0;
	[bflag:$0x2] =	sbarrier.arrive $0xFFFF  }
0x39: {  	[sflag:s0] =	ssyncadd.tile.s32 @!p0 $0x1;
	_ =	shalt  }
.Lfunc_end2:
_tile_overlayer_lowered:
.L_overlay_start_2:
0x3a: {  	(tag) =	ssettag $0x2  }
0x3b: {  	s0 =	rddreg [dreg:$0x0];
	s2 =	stileid.u32  }
0x3c: {  	s1 =	rddreg [dreg:$0x1];
	p0 =	sne.s32 s2, $0x0  }
0x3d: {  	s3 =	rddreg [dreg:$0x2];
	[bflag:$0x3] =	sbarrier.arrive $0xFFFF;
	s2 =	simm.s32 @!p0 $0x1C01  }
0x3e: {  	[timem:s3], [sflag:s2] =	dma.local @!p0 [hbm:s0], s1  }
0x3f: {  	s0 =	simm.s32 @!p0 $0x1  }
0x40: {  	_ =	swait.ge @!p0 [sflag:s0], s1  }
0x41: {  	s1 =	ssub.s32 @!p0 $0x0, s1;
	[sflag:s0] =	ssyncset.done @!p0 $0x0  }
0x42: {  	[sflag:s0] =	ssyncadd.s32 @!p0 s1  }
0x43: {  	[bflag:$0x3] =	sbarrier.arrive $0xFFFF  }
0x44: {  	_ =	shalt  }

</sc_bundles>
